<compile_context>
chip_gen: v7x
topology: tpu7x:2x2x1
jax: 0.10.2.dev20260603
libtpu: 0.0.44.dev20260713+nightly
codegen_flags: <defaults>
</compile_context>

<pallas_src>
import jax
import jax.numpy as jnp
from jax import lax
from jax.experimental import pallas as pl
from jax.experimental.pallas import tpu as pltpu
from jax.experimental.pallas import tpu_sc as plsc

B = 128
S = 4096
N = B * S
NSUB = 16
CHUNK = N // NSUB
PHASE1 = 128
BIG = 1 << 26


def _allreduce_min(v):
    m = v[0]
    for i in range(1, 16):
        m = jnp.minimum(m, v[i])
    return m


def _sc_body(conf_hbm, pg_hbm, out_conf, out_row,
             buf, candv, sbuf, ovec, idxv, gvec, cand_hbm, sem):
    sid = lax.axis_index("s")
    base = pl.multiple_of(sid * CHUNK, CHUNK)
    iota = lax.iota(jnp.int32, 16)
    iota_f = iota.astype(jnp.float32)

    def step(v, lbase, carry):
        idxacc, valacc = carry
        gidx = lbase.astype(jnp.float32) + iota_f
        cand = jnp.where(v > 0.0, gidx, jnp.float32(BIG))
        better = cand < idxacc
        return (jnp.where(better, cand, idxacc),
                jnp.where(better, v, valacc))

    init = (jnp.full((16,), BIG, jnp.float32),
            jnp.zeros((16,), jnp.float32))

    pltpu.sync_copy(conf_hbm.at[pl.ds(base, PHASE1)], buf.at[pl.ds(0, PHASE1)])

    def body1(j, carry):
        return step(buf[pl.ds(j * 16, 16)], base + j * 16, carry)
    acc1, val1 = lax.fori_loop(0, PHASE1 // 16, body1, init)
    candv[pl.ds(0, 16)] = acc1
    candv[pl.ds(16, 16)] = val1

    @pl.when(_allreduce_min(acc1) >= BIG)
    def _phase2():
        pltpu.sync_copy(conf_hbm.at[pl.ds(base, CHUNK)], buf)

        def body2(j, carry):
            c_blk = j >> 6
            r8 = (j >> 3) & 7
            lane0 = (j & 7) * 16
            lbase = base + r8 * 4096 + c_blk * 128 + lane0
            return step(buf[pl.ds(j * 16, 16)], lbase, carry)
        acc2, val2 = lax.fori_loop(0, CHUNK // 16, body2, init)
        candv[pl.ds(0, 16)] = acc2
        candv[pl.ds(16, 16)] = val2

    pltpu.sync_copy(candv, cand_hbm.at[sid])
    plsc.subcore_barrier()

    @pl.when(sid == 0)
    def _finalize():
        pltpu.sync_copy(cand_hbm, sbuf)
        idxrows = [sbuf[i, pl.ds(0, 16)] for i in range(NSUB)]
        valrows = [sbuf[i, pl.ds(16, 16)] for i in range(NSUB)]
        m = idxrows[0]
        for i in range(1, NSUB):
            m = jnp.minimum(m, idxrows[i])
        gmin = _allreduce_min(m)
        idx = jnp.where(gmin >= N, jnp.float32(0.0), gmin).astype(jnp.int32)

        bb = idx >> 12
        ss = idx & (S - 1)
        ebase = (bb << 16) + ((ss >> 7) << 9) + (ss & 127)
        idxv[...] = ebase + ((iota >> 2) << 14) + ((iota & 3) << 7)
        gather = pltpu.async_copy(pg_hbm.at[idxv], gvec, sem)

        vsel = valrows[0]
        for i in range(1, NSUB):
            vsel = jnp.where(idxrows[i] == gmin, valrows[i], vsel)
        wval = vsel[0]
        for l in range(1, 16):
            wval = jnp.where(m[l] == gmin, vsel[l], wval)
        v0 = buf[pl.ds(0, 16)]
        val = jnp.where(gmin >= N, v0[0], wval)

        sigv = 1.0 / (1.0 + jnp.exp(0.0 - (iota_f * 0.0 + val)))
        ovec[...] = jnp.where(iota == 0, sigv, 0.0)
        pltpu.sync_copy(ovec, out_conf)
        gather.wait()
        pltpu.sync_copy(gvec, out_row)


@jax.jit
def _first_grasp(conf_phys, pg_phys):
    mesh = plsc.VectorSubcoreMesh(core_axis_name="c", subcore_axis_name="s",
                                  num_cores=1)
    run = pl.kernel(
        _sc_body,
        out_type=(
            jax.ShapeDtypeStruct((16,), jnp.float32),
            jax.ShapeDtypeStruct((16,), jnp.float32),
        ),
        mesh=mesh,
        scratch_types=(
            pltpu.VMEM((CHUNK,), jnp.float32),
            pltpu.VMEM((32,), jnp.float32),
            pltpu.VMEM((NSUB, 32), jnp.float32),
            pltpu.VMEM((16,), jnp.float32),
            pltpu.VMEM((16,), jnp.int32),
            pltpu.VMEM((16,), jnp.float32),
            pltpu.HBM((NSUB, 32), jnp.float32),
            pltpu.SemaphoreType.DMA,
        ),
    )
    return run(conf_phys, pg_phys)


def kernel(pred_grasps, confidence, pred_widths, points):
    conf_phys = (confidence.reshape(16, 8, 32, 128)
                 .transpose(0, 2, 1, 3)
                 .reshape(-1))
    pg_phys = (pred_grasps.reshape(B, 32, 128, 4, 4)
               .transpose(0, 3, 1, 4, 2)
               .reshape(-1))
    out_conf, out_row = _first_grasp(conf_phys, pg_phys)
    return out_row.reshape(1, 4, 4), out_conf[0:1]

# --- scband reference (transcript-rebuilt; emitter-appended) ---
"""Pipeline reference for scband-cgn-inference-16192026706295 (READ-ONLY COPY).

The authoritative reference and input builder live on the scoring server;
editing this copy changes nothing except your own understanding.
"""

import jax, jax.numpy as jnp
import numpy as np


def setup_inputs(seed: int = 0) -> dict:
    key = jax.random.key(seed)
    k1, k2, k3, k4 = jax.random.split(key, 4)
    B, S = 128, 4096
    pred_grasps = jax.random.normal(k1, (B, S, 4, 4), dtype=jnp.float32)
    confidence = jax.random.normal(k2, (B, S), dtype=jnp.float32)
    pred_widths = jax.random.normal(k3, (B, S, 1), dtype=jnp.float32)
    points = jax.random.normal(k4, (B, S, 3), dtype=jnp.float32)
    return {"pred_grasps": pred_grasps, "confidence": confidence, "pred_widths": pred_widths, "points": points}


def reference(pred_grasps, confidence, pred_widths, points):
    threshold = 0.5
    # sigmoid over confidence logits (torch.nn.Sigmoid()(confidence))
    conf = jax.nn.sigmoid(confidence)
    # confidence.reshape((-1,))
    conf = conf.reshape((-1,))
    # torch.flatten(x, start_dim=0, end_dim=1)
    pg = pred_grasps.reshape((-1,) + pred_grasps.shape[2:])
    pw = pred_widths.reshape((-1,) + pred_widths.shape[2:])
    pts = points.reshape((-1,) + points.shape[2:])
    # (confidence > threshold).nonzero()[0] in torch returns the FIRST row of the
    # [K, 1] nonzero index matrix, i.e. a single index of shape [1].
    success_mask = jnp.argmax(conf > threshold)[None]  # shape [1]
    return (pg[success_mask], conf[success_mask])

if __name__ == "__main__":
    import jax
    _d = setup_inputs()
    print(jax.jit(kernel)(*tuple(_d.values())))

</pallas_src>

<mosaic_0001>
#map = affine_map<(d0, d1) -> (0)>
module attributes {stable_mosaic.version = 14 : i64} {
  func.func @_sc_body(%arg0: i32, %arg1: i32, %arg2: memref<524288xf32, #tpu.memory_space<hbm>>, %arg3: memref<8388608xf32, #tpu.memory_space<hbm>>, %arg4: memref<16xf32, #tpu.memory_space<hbm>>, %arg5: memref<16xf32, #tpu.memory_space<hbm>>, %arg6: memref<32768xf32, #tpu.memory_space<vmem>>, %arg7: memref<32xf32, #tpu.memory_space<vmem>>, %arg8: memref<16x32xf32, #tpu.memory_space<vmem>>, %arg9: memref<16xf32, #tpu.memory_space<vmem>>, %arg10: memref<16xi32, #tpu.memory_space<vmem>>, %arg11: memref<16xf32, #tpu.memory_space<vmem>>, %arg12: memref<16x32xf32, #tpu.memory_space<hbm>>, %arg13: memref<!tpu.dma_semaphore, #tpu.memory_space<semaphore_mem>>) attributes {dimension_semantics = [#tpu.dimension_semantics<core_parallel>, #tpu.dimension_semantics<subcore_parallel>], iteration_bounds = array<i64: 1, 16>, scalar_prefetch = 0 : i64, scratch_operands = 8 : i64, tpu.core_type = #tpu.core_type<sc_vector_subcore>, window_params = [{transform_indices = #map}, {transform_indices = #map}, {transform_indices = #map}, {transform_indices = #map}]} {
    %mul3A = arith.constant 32768 : i32
    %mul3A_0 = arith.muli %arg1, %mul3A : i32
    %multiple_of3A = tpu.assume_multiple %mul3A_0, 32768 : i32
    %iota3A = tpu.iota {dimensions = array<i32: 0>} : vector<16xi32>
    %convert_element_type3A = arith.sitofp %iota3A : vector<16xi32> to vector<16xf32>
    %broadcast_in_dim3A = arith.constant 0x4C800000 : f32
    %broadcast_in_dim3A_1 = vector.broadcast %broadcast_in_dim3A : f32 to vector<16xf32>
    %broadcast_in_dim3A_2 = arith.constant 0.000000e+00 : f32
    %broadcast_in_dim3A_3 = vector.broadcast %broadcast_in_dim3A_2 : f32 to vector<16xf32>
    "tpu.region"() ({
      %run_scoped3A = tpu.sem_alloc : memref<!tpu.dma_semaphore, #tpu.memory_space<semaphore_mem>>
      %dma_start3A = arith.constant 0 : i32
      %dma_start3A_67 = tpu.memref_slice %arg6[%dma_start3A] : memref<32768xf32, #tpu.memory_space<vmem>> -> memref<128xf32, #tpu.memory_space<vmem>>
      %dma_start3A_68 = tpu.memref_slice %arg2[%multiple_of3A] : memref<524288xf32, #tpu.memory_space<hbm>> -> memref<128xf32, #tpu.memory_space<hbm>>
      %dma_start3A_69 = arith.constant 0 : i32
      %dma_start3A_70 = tpu.memref_slice %arg6[%dma_start3A_69] : memref<32768xf32, #tpu.memory_space<vmem>> -> memref<128xf32, #tpu.memory_space<vmem>>
      %dma_start3A_71 = tpu.memref_slice %arg2[%multiple_of3A] : memref<524288xf32, #tpu.memory_space<hbm>> -> memref<128xf32, #tpu.memory_space<hbm>>
      tpu.enqueue_dma source(%dma_start3A_71 : memref<128xf32, #tpu.memory_space<hbm>>) target(%dma_start3A_70 : memref<128xf32, #tpu.memory_space<vmem>>) target_semaphore(%run_scoped3A : memref<!tpu.dma_semaphore, #tpu.memory_space<semaphore_mem>>)
      %dma_wait3A = arith.constant 0 : i32
      %dma_wait3A_72 = tpu.memref_slice %arg6[%dma_wait3A] : memref<32768xf32, #tpu.memory_space<vmem>> -> memref<128xf32, #tpu.memory_space<vmem>>
      %dma_wait3A_73 = tpu.memref_slice %arg2[%multiple_of3A] : memref<524288xf32, #tpu.memory_space<hbm>> -> memref<128xf32, #tpu.memory_space<hbm>>
      %dma_wait3A_74 = arith.constant 0 : i32
      %dma_wait3A_75 = tpu.memref_slice %arg6[%dma_wait3A_74] : memref<32768xf32, #tpu.memory_space<vmem>> -> memref<128xf32, #tpu.memory_space<vmem>>
      %dma_wait3A_76 = tpu.memref_slice %arg2[%multiple_of3A] : memref<524288xf32, #tpu.memory_space<hbm>> -> memref<128xf32, #tpu.memory_space<hbm>>
      tpu.wait_dma2 semaphore(%run_scoped3A : memref<!tpu.dma_semaphore, #tpu.memory_space<semaphore_mem>>) src(%dma_wait3A_76 : memref<128xf32, #tpu.memory_space<hbm>>) dst(%dma_wait3A_75 : memref<128xf32, #tpu.memory_space<vmem>>)
      tpu.yield
    }) : () -> ()
    %scan3A = arith.constant 0 : i32
    %scan3A_4 = arith.constant 8 : i32
    %scan3A_5 = arith.addi %scan3A, %scan3A_4 : i32
    %scan3A_6 = arith.constant 1 : i32
    %scan3A_7:2 = scf.for %scan3A_67 = %scan3A to %scan3A_5 step %scan3A_6 iter_args(%scan3A_68 = %broadcast_in_dim3A_1, %scan3A_69 = %broadcast_in_dim3A_3) -> (vector<16xf32>, vector<16xf32>)  : i32 {
      %mul3A_70 = arith.constant 16 : i32
      %mul3A_71 = arith.muli %scan3A_67, %mul3A_70 : i32
      %get3A = arith.index_cast %mul3A_71 : i32 to index
      %get3A_72 = tpu.vector_load %arg6[%get3A] {strides = array<i32>} : memref<32768xf32, #tpu.memory_space<vmem>>, vector<16xf32>,
      %get3A_73 = vector.shape_cast %get3A_72 : vector<16xf32> to vector<16xf32>
      %mul3A_74 = arith.constant 16 : i32
      %mul3A_75 = arith.muli %scan3A_67, %mul3A_74 : i32
      %add3A = arith.addi %multiple_of3A, %mul3A_75 : i32
      %convert_element_type3A_76 = arith.sitofp %add3A : i32 to f32
      %add3A_77 = vector.broadcast %convert_element_type3A_76 : f32 to vector<16xf32>
      %add3A_78 = arith.addf %add3A_77, %convert_element_type3A : vector<16xf32>
      %gt3A = arith.constant 0.000000e+00 : f32
      %gt3A_79 = vector.broadcast %gt3A : f32 to vector<16xf32>
      %gt3A_80 = arith.cmpf ogt, %get3A_73, %gt3A_79 : vector<16xf32>
      %jit3A = arith.constant 0x4C800000 : f32
      %broadcast_in_dim3A_81 = vector.broadcast %jit3A : f32 to vector<16xf32>
      %select_n3A = arith.select %gt3A_80, %add3A_78, %broadcast_in_dim3A_81 : vector<16xi1>, vector<16xf32>
      %lt3A = arith.cmpf olt, %select_n3A, %scan3A_68 : vector<16xf32>
      %select_n3A_82 = arith.select %lt3A, %select_n3A, %scan3A_68 : vector<16xi1>, vector<16xf32>
      %select_n3A_83 = arith.select %lt3A, %get3A_73, %scan3A_69 : vector<16xi1>, vector<16xf32>
      scf.yield %select_n3A_82, %select_n3A_83 : vector<16xf32>, vector<16xf32>
    }
    %scan3A_8 = arith.constant 8 : i32
    %swap3A = arith.constant 0 : index
    %swap3A_9 = tpu.vector_load %arg7[%swap3A] {strides = array<i32>} : memref<32xf32, #tpu.memory_space<vmem>>, vector<16xf32>,
    %swap3A_10 = vector.shape_cast %swap3A_9 : vector<16xf32> to vector<16xf32>
    %swap3A_11 = vector.shape_cast %scan3A_7#0 : vector<16xf32> to vector<16xf32>
    tpu.vector_store %arg7[%swap3A], %swap3A_11 {strides = array<i32>} : memref<32xf32, #tpu.memory_space<vmem>>, vector<16xf32>,
    %swap3A_12 = arith.constant 16 : index
    %swap3A_13 = tpu.vector_load %arg7[%swap3A_12] {strides = array<i32>} : memref<32xf32, #tpu.memory_space<vmem>>, vector<16xf32>,
    %swap3A_14 = vector.shape_cast %swap3A_13 : vector<16xf32> to vector<16xf32>
    %swap3A_15 = vector.shape_cast %scan3A_7#1 : vector<16xf32> to vector<16xf32>
    tpu.vector_store %arg7[%swap3A_12], %swap3A_15 {strides = array<i32>} : memref<32xf32, #tpu.memory_space<vmem>>, vector<16xf32>,
    %slice3A = vector.extract_strided_slice %scan3A_7#0 {offsets = [0], sizes = [1], strides = [1]} : vector<16xf32> to vector<1xf32>
    %squeeze3A = vector.extract %slice3A[0] : f32 from vector<1xf32>
    %slice3A_16 = vector.extract_strided_slice %scan3A_7#0 {offsets = [1], sizes = [1], strides = [1]} : vector<16xf32> to vector<1xf32>
    %squeeze3A_17 = vector.extract %slice3A_16[0] : f32 from vector<1xf32>
    %min3A = arith.minimumf %squeeze3A, %squeeze3A_17 : f32
    %slice3A_18 = vector.extract_strided_slice %scan3A_7#0 {offsets = [2], sizes = [1], strides = [1]} : vector<16xf32> to vector<1xf32>
    %squeeze3A_19 = vector.extract %slice3A_18[0] : f32 from vector<1xf32>
    %min3A_20 = arith.minimumf %min3A, %squeeze3A_19 : f32
    %slice3A_21 = vector.extract_strided_slice %scan3A_7#0 {offsets = [3], sizes = [1], strides = [1]} : vector<16xf32> to vector<1xf32>
    %squeeze3A_22 = vector.extract %slice3A_21[0] : f32 from vector<1xf32>
    %min3A_23 = arith.minimumf %min3A_20, %squeeze3A_22 : f32
    %slice3A_24 = vector.extract_strided_slice %scan3A_7#0 {offsets = [4], sizes = [1], strides = [1]} : vector<16xf32> to vector<1xf32>
    %squeeze3A_25 = vector.extract %slice3A_24[0] : f32 from vector<1xf32>
    %min3A_26 = arith.minimumf %min3A_23, %squeeze3A_25 : f32
    %slice3A_27 = vector.extract_strided_slice %scan3A_7#0 {offsets = [5], sizes = [1], strides = [1]} : vector<16xf32> to vector<1xf32>
    %squeeze3A_28 = vector.extract %slice3A_27[0] : f32 from vector<1xf32>
    %min3A_29 = arith.minimumf %min3A_26, %squeeze3A_28 : f32
    %slice3A_30 = vector.extract_strided_slice %scan3A_7#0 {offsets = [6], sizes = [1], strides = [1]} : vector<16xf32> to vector<1xf32>
    %squeeze3A_31 = vector.extract %slice3A_30[0] : f32 from vector<1xf32>
    %min3A_32 = arith.minimumf %min3A_29, %squeeze3A_31 : f32
    %slice3A_33 = vector.extract_strided_slice %scan3A_7#0 {offsets = [7], sizes = [1], strides = [1]} : vector<16xf32> to vector<1xf32>
    %squeeze3A_34 = vector.extract %slice3A_33[0] : f32 from vector<1xf32>
    %min3A_35 = arith.minimumf %min3A_32, %squeeze3A_34 : f32
    %slice3A_36 = vector.extract_strided_slice %scan3A_7#0 {offsets = [8], sizes = [1], strides = [1]} : vector<16xf32> to vector<1xf32>
    %squeeze3A_37 = vector.extract %slice3A_36[0] : f32 from vector<1xf32>
    %min3A_38 = arith.minimumf %min3A_35, %squeeze3A_37 : f32
    %slice3A_39 = vector.extract_strided_slice %scan3A_7#0 {offsets = [9], sizes = [1], strides = [1]} : vector<16xf32> to vector<1xf32>
    %squeeze3A_40 = vector.extract %slice3A_39[0] : f32 from vector<1xf32>
    %min3A_41 = arith.minimumf %min3A_38, %squeeze3A_40 : f32
    %slice3A_42 = vector.extract_strided_slice %scan3A_7#0 {offsets = [10], sizes = [1], strides = [1]} : vector<16xf32> to vector<1xf32>
    %squeeze3A_43 = vector.extract %slice3A_42[0] : f32 from vector<1xf32>
    %min3A_44 = arith.minimumf %min3A_41, %squeeze3A_43 : f32
    %slice3A_45 = vector.extract_strided_slice %scan3A_7#0 {offsets = [11], sizes = [1], strides = [1]} : vector<16xf32> to vector<1xf32>
    %squeeze3A_46 = vector.extract %slice3A_45[0] : f32 from vector<1xf32>
    %min3A_47 = arith.minimumf %min3A_44, %squeeze3A_46 : f32
    %slice3A_48 = vector.extract_strided_slice %scan3A_7#0 {offsets = [12], sizes = [1], strides = [1]} : vector<16xf32> to vector<1xf32>
    %squeeze3A_49 = vector.extract %slice3A_48[0] : f32 from vector<1xf32>
    %min3A_50 = arith.minimumf %min3A_47, %squeeze3A_49 : f32
    %slice3A_51 = vector.extract_strided_slice %scan3A_7#0 {offsets = [13], sizes = [1], strides = [1]} : vector<16xf32> to vector<1xf32>
    %squeeze3A_52 = vector.extract %slice3A_51[0] : f32 from vector<1xf32>
    %min3A_53 = arith.minimumf %min3A_50, %squeeze3A_52 : f32
    %slice3A_54 = vector.extract_strided_slice %scan3A_7#0 {offsets = [14], sizes = [1], strides = [1]} : vector<16xf32> to vector<1xf32>
    %squeeze3A_55 = vector.extract %slice3A_54[0] : f32 from vector<1xf32>
    %min3A_56 = arith.minimumf %min3A_53, %squeeze3A_55 : f32
    %slice3A_57 = vector.extract_strided_slice %scan3A_7#0 {offsets = [15], sizes = [1], strides = [1]} : vector<16xf32> to vector<1xf32>
    %squeeze3A_58 = vector.extract %slice3A_57[0] : f32 from vector<1xf32>
    %min3A_59 = arith.minimumf %min3A_56, %squeeze3A_58 : f32
    %ge3A = arith.constant 0x4C800000 : f32
    %ge3A_60 = arith.cmpf oge, %min3A_59, %ge3A : f32
    %convert_element_type3A_61 = arith.extui %ge3A_60 : i1 to i32
    %cond3A = arith.constant 0 : i32
    %cond3A_62 = arith.cmpi ne, %convert_element_type3A_61, %cond3A : i32
    scf.if %cond3A_62 {
      "tpu.region"() ({
        %run_scoped3A = tpu.sem_alloc : memref<!tpu.dma_semaphore, #tpu.memory_space<semaphore_mem>>
        %dma_start3A = tpu.memref_slice %arg2[%multiple_of3A] : memref<524288xf32, #tpu.memory_space<hbm>> -> memref<32768xf32, #tpu.memory_space<hbm>>
        %dma_start3A_81 = tpu.memref_slice %arg2[%multiple_of3A] : memref<524288xf32, #tpu.memory_space<hbm>> -> memref<32768xf32, #tpu.memory_space<hbm>>
        tpu.enqueue_dma source(%dma_start3A_81 : memref<32768xf32, #tpu.memory_space<hbm>>) target(%arg6 : memref<32768xf32, #tpu.memory_space<vmem>>) target_semaphore(%run_scoped3A : memref<!tpu.dma_semaphore, #tpu.memory_space<semaphore_mem>>)
        %dma_wait3A = tpu.memref_slice %arg2[%multiple_of3A] : memref<524288xf32, #tpu.memory_space<hbm>> -> memref<32768xf32, #tpu.memory_space<hbm>>
        %dma_wait3A_82 = tpu.memref_slice %arg2[%multiple_of3A] : memref<524288xf32, #tpu.memory_space<hbm>> -> memref<32768xf32, #tpu.memory_space<hbm>>
        tpu.wait_dma2 semaphore(%run_scoped3A : memref<!tpu.dma_semaphore, #tpu.memory_space<semaphore_mem>>) src(%dma_wait3A_82 : memref<32768xf32, #tpu.memory_space<hbm>>) dst(%arg6 : memref<32768xf32, #tpu.memory_space<vmem>>)
        tpu.yield
      }) : () -> ()
      %scan3A_67 = arith.constant 0 : i32
      %scan3A_68 = arith.constant 2048 : i32
      %scan3A_69 = arith.addi %scan3A_67, %scan3A_68 : i32
      %scan3A_70 = arith.constant 1 : i32
      %scan3A_71:2 = scf.for %scan3A_81 = %scan3A_67 to %scan3A_69 step %scan3A_70 iter_args(%scan3A_82 = %broadcast_in_dim3A_1, %scan3A_83 = %broadcast_in_dim3A_3) -> (vector<16xf32>, vector<16xf32>)  : i32 {
        %shift_right_arithmetic3A = arith.constant 6 : i32
        %shift_right_arithmetic3A_84 = arith.shrsi %scan3A_81, %shift_right_arithmetic3A : i32
        %shift_right_arithmetic3A_85 = arith.constant 3 : i32
        %shift_right_arithmetic3A_86 = arith.shrsi %scan3A_81, %shift_right_arithmetic3A_85 : i32
        %and3A = arith.constant 7 : i32
        %and3A_87 = arith.andi %shift_right_arithmetic3A_86, %and3A : i32
        %and3A_88 = arith.constant 7 : i32
        %and3A_89 = arith.andi %scan3A_81, %and3A_88 : i32
        %mul3A_90 = arith.constant 16 : i32
        %mul3A_91 = arith.muli %and3A_89, %mul3A_90 : i32
        %mul3A_92 = arith.constant 4096 : i32
        %mul3A_93 = arith.muli %and3A_87, %mul3A_92 : i32
        %add3A = arith.addi %multiple_of3A, %mul3A_93 : i32
        %mul3A_94 = arith.constant 128 : i32
        %mul3A_95 = arith.muli %shift_right_arithmetic3A_84, %mul3A_94 : i32
        %add3A_96 = arith.addi %add3A, %mul3A_95 : i32
        %add3A_97 = arith.addi %add3A_96, %mul3A_91 : i32
        %mul3A_98 = arith.constant 16 : i32
        %mul3A_99 = arith.muli %scan3A_81, %mul3A_98 : i32
        %get3A = arith.index_cast %mul3A_99 : i32 to index
        %get3A_100 = tpu.vector_load %arg6[%get3A] {strides = array<i32>} : memref<32768xf32, #tpu.memory_space<vmem>>, vector<16xf32>,
        %get3A_101 = vector.shape_cast %get3A_100 : vector<16xf32> to vector<16xf32>
        %convert_element_type3A_102 = arith.sitofp %add3A_97 : i32 to f32
        %add3A_103 = vector.broadcast %convert_element_type3A_102 : f32 to vector<16xf32>
        %add3A_104 = arith.addf %add3A_103, %convert_element_type3A : vector<16xf32>
        %gt3A = arith.constant 0.000000e+00 : f32
        %gt3A_105 = vector.broadcast %gt3A : f32 to vector<16xf32>
        %gt3A_106 = arith.cmpf ogt, %get3A_101, %gt3A_105 : vector<16xf32>
        %jit3A = arith.constant 0x4C800000 : f32
        %broadcast_in_dim3A_107 = vector.broadcast %jit3A : f32 to vector<16xf32>
        %select_n3A = arith.select %gt3A_106, %add3A_104, %broadcast_in_dim3A_107 : vector<16xi1>, vector<16xf32>
        %lt3A = arith.cmpf olt, %select_n3A, %scan3A_82 : vector<16xf32>
        %select_n3A_108 = arith.select %lt3A, %select_n3A, %scan3A_82 : vector<16xi1>, vector<16xf32>
        %select_n3A_109 = arith.select %lt3A, %get3A_101, %scan3A_83 : vector<16xi1>, vector<16xf32>
        scf.yield %select_n3A_108, %select_n3A_109 : vector<16xf32>, vector<16xf32>
      }
      %scan3A_72 = arith.constant 2048 : i32
      %swap3A_73 = arith.constant 0 : index
      %swap3A_74 = tpu.vector_load %arg7[%swap3A_73] {strides = array<i32>} : memref<32xf32, #tpu.memory_space<vmem>>, vector<16xf32>,
      %swap3A_75 = vector.shape_cast %swap3A_74 : vector<16xf32> to vector<16xf32>
      %swap3A_76 = vector.shape_cast %scan3A_71#0 : vector<16xf32> to vector<16xf32>
      tpu.vector_store %arg7[%swap3A_73], %swap3A_76 {strides = array<i32>} : memref<32xf32, #tpu.memory_space<vmem>>, vector<16xf32>,
      %swap3A_77 = arith.constant 16 : index
      %swap3A_78 = tpu.vector_load %arg7[%swap3A_77] {strides = array<i32>} : memref<32xf32, #tpu.memory_space<vmem>>, vector<16xf32>,
      %swap3A_79 = vector.shape_cast %swap3A_78 : vector<16xf32> to vector<16xf32>
      %swap3A_80 = vector.shape_cast %scan3A_71#1 : vector<16xf32> to vector<16xf32>
      tpu.vector_store %arg7[%swap3A_77], %swap3A_80 {strides = array<i32>} : memref<32xf32, #tpu.memory_space<vmem>>, vector<16xf32>,
    } else {
    }
    "tpu.region"() ({
      %run_scoped3A = tpu.sem_alloc : memref<!tpu.dma_semaphore, #tpu.memory_space<semaphore_mem>>
      %dma_start3A = arith.constant 0 : i32
      %dma_start3A_67 = tpu.memref_slice %arg12[%arg1, %dma_start3A] : memref<16x32xf32, #tpu.memory_space<hbm>> -> memref<1x32xf32, #tpu.memory_space<hbm>>
      %dma_start3A_68 = tpu.memref_squeeze %dma_start3A_67 : memref<1x32xf32, #tpu.memory_space<hbm>> -> memref<32xf32, #tpu.memory_space<hbm>>
      %dma_start3A_69 = arith.constant 0 : i32
      %dma_start3A_70 = tpu.memref_slice %arg12[%arg1, %dma_start3A_69] : memref<16x32xf32, #tpu.memory_space<hbm>> -> memref<1x32xf32, #tpu.memory_space<hbm>>
      %dma_start3A_71 = tpu.memref_squeeze %dma_start3A_70 : memref<1x32xf32, #tpu.memory_space<hbm>> -> memref<32xf32, #tpu.memory_space<hbm>>
      tpu.enqueue_dma source(%arg7 : memref<32xf32, #tpu.memory_space<vmem>>) target(%dma_start3A_71 : memref<32xf32, #tpu.memory_space<hbm>>) target_semaphore(%run_scoped3A : memref<!tpu.dma_semaphore, #tpu.memory_space<semaphore_mem>>)
      %dma_wait3A = arith.constant 0 : i32
      %dma_wait3A_72 = tpu.memref_slice %arg12[%arg1, %dma_wait3A] : memref<16x32xf32, #tpu.memory_space<hbm>> -> memref<1x32xf32, #tpu.memory_space<hbm>>
      %dma_wait3A_73 = tpu.memref_squeeze %dma_wait3A_72 : memref<1x32xf32, #tpu.memory_space<hbm>> -> memref<32xf32, #tpu.memory_space<hbm>>
      %dma_wait3A_74 = arith.constant 0 : i32
      %dma_wait3A_75 = tpu.memref_slice %arg12[%arg1, %dma_wait3A_74] : memref<16x32xf32, #tpu.memory_space<hbm>> -> memref<1x32xf32, #tpu.memory_space<hbm>>
      %dma_wait3A_76 = tpu.memref_squeeze %dma_wait3A_75 : memref<1x32xf32, #tpu.memory_space<hbm>> -> memref<32xf32, #tpu.memory_space<hbm>>
      tpu.wait_dma2 semaphore(%run_scoped3A : memref<!tpu.dma_semaphore, #tpu.memory_space<semaphore_mem>>) src(%arg7 : memref<32xf32, #tpu.memory_space<vmem>>) dst(%dma_wait3A_76 : memref<32xf32, #tpu.memory_space<hbm>>)
      tpu.yield
    }) : () -> ()
    %barrier3A = arith.constant 0 : index
    tpu.barrier barrier_id(%barrier3A)
    %eq3A = arith.constant 0 : i32
    %eq3A_63 = arith.cmpi eq, %arg1, %eq3A : i32
    %convert_element_type3A_64 = arith.extui %eq3A_63 : i1 to i32
    %cond3A_65 = arith.constant 0 : i32
    %cond3A_66 = arith.cmpi ne, %convert_element_type3A_64, %cond3A_65 : i32
    scf.if %cond3A_66 {
      "tpu.region"() ({
        %run_scoped3A = tpu.sem_alloc : memref<!tpu.dma_semaphore, #tpu.memory_space<semaphore_mem>>
        tpu.enqueue_dma source(%arg12 : memref<16x32xf32, #tpu.memory_space<hbm>>) target(%arg8 : memref<16x32xf32, #tpu.memory_space<vmem>>) target_semaphore(%run_scoped3A : memref<!tpu.dma_semaphore, #tpu.memory_space<semaphore_mem>>)
        tpu.wait_dma2 semaphore(%run_scoped3A : memref<!tpu.dma_semaphore, #tpu.memory_space<semaphore_mem>>) src(%arg12 : memref<16x32xf32, #tpu.memory_space<hbm>>) dst(%arg8 : memref<16x32xf32, #tpu.memory_space<vmem>>)
        tpu.yield
      }) : () -> ()
      %get3A = arith.constant 0 : i32
      %get3A_67 = arith.index_cast %get3A : i32 to index
      %get3A_68 = arith.constant 0 : index
      %get3A_69 = tpu.vector_load %arg8[%get3A_67, %get3A_68] {strides = array<i32>} : memref<16x32xf32, #tpu.memory_space<vmem>>, vector<1x16xf32>,
      %get3A_70 = vector.shape_cast %get3A_69 : vector<1x16xf32> to vector<16xf32>
      %get3A_71 = arith.constant 1 : i32
      %get3A_72 = arith.index_cast %get3A_71 : i32 to index
      %get3A_73 = arith.constant 0 : index
      %get3A_74 = tpu.vector_load %arg8[%get3A_72, %get3A_73] {strides = array<i32>} : memref<16x32xf32, #tpu.memory_space<vmem>>, vector<1x16xf32>,
      %get3A_75 = vector.shape_cast %get3A_74 : vector<1x16xf32> to vector<16xf32>
      %get3A_76 = arith.constant 2 : i32
      %get3A_77 = arith.index_cast %get3A_76 : i32 to index
      %get3A_78 = arith.constant 0 : index
      %get3A_79 = tpu.vector_load %arg8[%get3A_77, %get3A_78] {strides = array<i32>} : memref<16x32xf32, #tpu.memory_space<vmem>>, vector<1x16xf32>,
      %get3A_80 = vector.shape_cast %get3A_79 : vector<1x16xf32> to vector<16xf32>
      %get3A_81 = arith.constant 3 : i32
      %get3A_82 = arith.index_cast %get3A_81 : i32 to index
      %get3A_83 = arith.constant 0 : index
      %get3A_84 = tpu.vector_load %arg8[%get3A_82, %get3A_83] {strides = array<i32>} : memref<16x32xf32, #tpu.memory_space<vmem>>, vector<1x16xf32>,
      %get3A_85 = vector.shape_cast %get3A_84 : vector<1x16xf32> to vector<16xf32>
      %get3A_86 = arith.constant 4 : i32
      %get3A_87 = arith.index_cast %get3A_86 : i32 to index
      %get3A_88 = arith.constant 0 : index
      %get3A_89 = tpu.vector_load %arg8[%get3A_87, %get3A_88] {strides = array<i32>} : memref<16x32xf32, #tpu.memory_space<vmem>>, vector<1x16xf32>,
      %get3A_90 = vector.shape_cast %get3A_89 : vector<1x16xf32> to vector<16xf32>
      %get3A_91 = arith.constant 5 : i32
      %get3A_92 = arith.index_cast %get3A_91 : i32 to index
      %get3A_93 = arith.constant 0 : index
      %get3A_94 = tpu.vector_load %arg8[%get3A_92, %get3A_93] {strides = array<i32>} : memref<16x32xf32, #tpu.memory_space<vmem>>, vector<1x16xf32>,
      %get3A_95 = vector.shape_cast %get3A_94 : vector<1x16xf32> to vector<16xf32>
      %get3A_96 = arith.constant 6 : i32
      %get3A_97 = arith.index_cast %get3A_96 : i32 to index
      %get3A_98 = arith.constant 0 : index
      %get3A_99 = tpu.vector_load %arg8[%get3A_97, %get3A_98] {strides = array<i32>} : memref<16x32xf32, #tpu.memory_space<vmem>>, vector<1x16xf32>,
      %get3A_100 = vector.shape_cast %get3A_99 : vector<1x16xf32> to vector<16xf32>
      %get3A_101 = arith.constant 7 : i32
      %get3A_102 = arith.index_cast %get3A_101 : i32 to index
      %get3A_103 = arith.constant 0 : index
      %get3A_104 = tpu.vector_load %arg8[%get3A_102, %get3A_103] {strides = array<i32>} : memref<16x32xf32, #tpu.memory_space<vmem>>, vector<1x16xf32>,
      %get3A_105 = vector.shape_cast %get3A_104 : vector<1x16xf32> to vector<16xf32>
      %get3A_106 = arith.constant 8 : i32
      %get3A_107 = arith.index_cast %get3A_106 : i32 to index
      %get3A_108 = arith.constant 0 : index
      %get3A_109 = tpu.vector_load %arg8[%get3A_107, %get3A_108] {strides = array<i32>} : memref<16x32xf32, #tpu.memory_space<vmem>>, vector<1x16xf32>,
      %get3A_110 = vector.shape_cast %get3A_109 : vector<1x16xf32> to vector<16xf32>
      %get3A_111 = arith.constant 9 : i32
      %get3A_112 = arith.index_cast %get3A_111 : i32 to index
      %get3A_113 = arith.constant 0 : index
      %get3A_114 = tpu.vector_load %arg8[%get3A_112, %get3A_113] {strides = array<i32>} : memref<16x32xf32, #tpu.memory_space<vmem>>, vector<1x16xf32>,
      %get3A_115 = vector.shape_cast %get3A_114 : vector<1x16xf32> to vector<16xf32>
      %get3A_116 = arith.constant 10 : i32
      %get3A_117 = arith.index_cast %get3A_116 : i32 to index
      %get3A_118 = arith.constant 0 : index
      %get3A_119 = tpu.vector_load %arg8[%get3A_117, %get3A_118] {strides = array<i32>} : memref<16x32xf32, #tpu.memory_space<vmem>>, vector<1x16xf32>,
      %get3A_120 = vector.shape_cast %get3A_119 : vector<1x16xf32> to vector<16xf32>
      %get3A_121 = arith.constant 11 : i32
      %get3A_122 = arith.index_cast %get3A_121 : i32 to index
      %get3A_123 = arith.constant 0 : index
      %get3A_124 = tpu.vector_load %arg8[%get3A_122, %get3A_123] {strides = array<i32>} : memref<16x32xf32, #tpu.memory_space<vmem>>, vector<1x16xf32>,
      %get3A_125 = vector.shape_cast %get3A_124 : vector<1x16xf32> to vector<16xf32>
      %get3A_126 = arith.constant 12 : i32
      %get3A_127 = arith.index_cast %get3A_126 : i32 to index
      %get3A_128 = arith.constant 0 : index
      %get3A_129 = tpu.vector_load %arg8[%get3A_127, %get3A_128] {strides = array<i32>} : memref<16x32xf32, #tpu.memory_space<vmem>>, vector<1x16xf32>,
      %get3A_130 = vector.shape_cast %get3A_129 : vector<1x16xf32> to vector<16xf32>
      %get3A_131 = arith.constant 13 : i32
      %get3A_132 = arith.index_cast %get3A_131 : i32 to index
      %get3A_133 = arith.constant 0 : index
      %get3A_134 = tpu.vector_load %arg8[%get3A_132, %get3A_133] {strides = array<i32>} : memref<16x32xf32, #tpu.memory_space<vmem>>, vector<1x16xf32>,
      %get3A_135 = vector.shape_cast %get3A_134 : vector<1x16xf32> to vector<16xf32>
      %get3A_136 = arith.constant 14 : i32
      %get3A_137 = arith.index_cast %get3A_136 : i32 to index
      %get3A_138 = arith.constant 0 : index
      %get3A_139 = tpu.vector_load %arg8[%get3A_137, %get3A_138] {strides = array<i32>} : memref<16x32xf32, #tpu.memory_space<vmem>>, vector<1x16xf32>,
      %get3A_140 = vector.shape_cast %get3A_139 : vector<1x16xf32> to vector<16xf32>
      %get3A_141 = arith.constant 15 : i32
      %get3A_142 = arith.index_cast %get3A_141 : i32 to index
      %get3A_143 = arith.constant 0 : index
      %get3A_144 = tpu.vector_load %arg8[%get3A_142, %get3A_143] {strides = array<i32>} : memref<16x32xf32, #tpu.memory_space<vmem>>, vector<1x16xf32>,
      %get3A_145 = vector.shape_cast %get3A_144 : vector<1x16xf32> to vector<16xf32>
      %get3A_146 = arith.constant 0 : i32
      %get3A_147 = arith.index_cast %get3A_146 : i32 to index
      %get3A_148 = arith.constant 16 : index
      %get3A_149 = tpu.vector_load %arg8[%get3A_147, %get3A_148] {strides = array<i32>} : memref<16x32xf32, #tpu.memory_space<vmem>>, vector<1x16xf32>,
      %get3A_150 = vector.shape_cast %get3A_149 : vector<1x16xf32> to vector<16xf32>
      %get3A_151 = arith.constant 1 : i32
      %get3A_152 = arith.index_cast %get3A_151 : i32 to index
      %get3A_153 = arith.constant 16 : index
      %get3A_154 = tpu.vector_load %arg8[%get3A_152, %get3A_153] {strides = array<i32>} : memref<16x32xf32, #tpu.memory_space<vmem>>, vector<1x16xf32>,
      %get3A_155 = vector.shape_cast %get3A_154 : vector<1x16xf32> to vector<16xf32>
      %get3A_156 = arith.constant 2 : i32
      %get3A_157 = arith.index_cast %get3A_156 : i32 to index
      %get3A_158 = arith.constant 16 : index
      %get3A_159 = tpu.vector_load %arg8[%get3A_157, %get3A_158] {strides = array<i32>} : memref<16x32xf32, #tpu.memory_space<vmem>>, vector<1x16xf32>,
      %get3A_160 = vector.shape_cast %get3A_159 : vector<1x16xf32> to vector<16xf32>
      %get3A_161 = arith.constant 3 : i32
      %get3A_162 = arith.index_cast %get3A_161 : i32 to index
      %get3A_163 = arith.constant 16 : index
      %get3A_164 = tpu.vector_load %arg8[%get3A_162, %get3A_163] {strides = array<i32>} : memref<16x32xf32, #tpu.memory_space<vmem>>, vector<1x16xf32>,
      %get3A_165 = vector.shape_cast %get3A_164 : vector<1x16xf32> to vector<16xf32>
      %get3A_166 = arith.constant 4 : i32
      %get3A_167 = arith.index_cast %get3A_166 : i32 to index
      %get3A_168 = arith.constant 16 : index
      %get3A_169 = tpu.vector_load %arg8[%get3A_167, %get3A_168] {strides = array<i32>} : memref<16x32xf32, #tpu.memory_space<vmem>>, vector<1x16xf32>,
      %get3A_170 = vector.shape_cast %get3A_169 : vector<1x16xf32> to vector<16xf32>
      %get3A_171 = arith.constant 5 : i32
      %get3A_172 = arith.index_cast %get3A_171 : i32 to index
      %get3A_173 = arith.constant 16 : index
      %get3A_174 = tpu.vector_load %arg8[%get3A_172, %get3A_173] {strides = array<i32>} : memref<16x32xf32, #tpu.memory_space<vmem>>, vector<1x16xf32>,
      %get3A_175 = vector.shape_cast %get3A_174 : vector<1x16xf32> to vector<16xf32>
      %get3A_176 = arith.constant 6 : i32
      %get3A_177 = arith.index_cast %get3A_176 : i32 to index
      %get3A_178 = arith.constant 16 : index
      %get3A_179 = tpu.vector_load %arg8[%get3A_177, %get3A_178] {strides = array<i32>} : memref<16x32xf32, #tpu.memory_space<vmem>>, vector<1x16xf32>,
      %get3A_180 = vector.shape_cast %get3A_179 : vector<1x16xf32> to vector<16xf32>
      %get3A_181 = arith.constant 7 : i32
      %get3A_182 = arith.index_cast %get3A_181 : i32 to index
      %get3A_183 = arith.constant 16 : index
      %get3A_184 = tpu.vector_load %arg8[%get3A_182, %get3A_183] {strides = array<i32>} : memref<16x32xf32, #tpu.memory_space<vmem>>, vector<1x16xf32>,
      %get3A_185 = vector.shape_cast %get3A_184 : vector<1x16xf32> to vector<16xf32>
      %get3A_186 = arith.constant 8 : i32
      %get3A_187 = arith.index_cast %get3A_186 : i32 to index
      %get3A_188 = arith.constant 16 : index
      %get3A_189 = tpu.vector_load %arg8[%get3A_187, %get3A_188] {strides = array<i32>} : memref<16x32xf32, #tpu.memory_space<vmem>>, vector<1x16xf32>,
      %get3A_190 = vector.shape_cast %get3A_189 : vector<1x16xf32> to vector<16xf32>
      %get3A_191 = arith.constant 9 : i32
      %get3A_192 = arith.index_cast %get3A_191 : i32 to index
      %get3A_193 = arith.constant 16 : index
      %get3A_194 = tpu.vector_load %arg8[%get3A_192, %get3A_193] {strides = array<i32>} : memref<16x32xf32, #tpu.memory_space<vmem>>, vector<1x16xf32>,
      %get3A_195 = vector.shape_cast %get3A_194 : vector<1x16xf32> to vector<16xf32>
      %get3A_196 = arith.constant 10 : i32
      %get3A_197 = arith.index_cast %get3A_196 : i32 to index
      %get3A_198 = arith.constant 16 : index
      %get3A_199 = tpu.vector_load %arg8[%get3A_197, %get3A_198] {strides = array<i32>} : memref<16x32xf32, #tpu.memory_space<vmem>>, vector<1x16xf32>,
      %get3A_200 = vector.shape_cast %get3A_199 : vector<1x16xf32> to vector<16xf32>
      %get3A_201 = arith.constant 11 : i32
      %get3A_202 = arith.index_cast %get3A_201 : i32 to index
      %get3A_203 = arith.constant 16 : index
      %get3A_204 = tpu.vector_load %arg8[%get3A_202, %get3A_203] {strides = array<i32>} : memref<16x32xf32, #tpu.memory_space<vmem>>, vector<1x16xf32>,
      %get3A_205 = vector.shape_cast %get3A_204 : vector<1x16xf32> to vector<16xf32>
      %get3A_206 = arith.constant 12 : i32
      %get3A_207 = arith.index_cast %get3A_206 : i32 to index
      %get3A_208 = arith.constant 16 : index
      %get3A_209 = tpu.vector_load %arg8[%get3A_207, %get3A_208] {strides = array<i32>} : memref<16x32xf32, #tpu.memory_space<vmem>>, vector<1x16xf32>,
      %get3A_210 = vector.shape_cast %get3A_209 : vector<1x16xf32> to vector<16xf32>
      %get3A_211 = arith.constant 13 : i32
      %get3A_212 = arith.index_cast %get3A_211 : i32 to index
      %get3A_213 = arith.constant 16 : index
      %get3A_214 = tpu.vector_load %arg8[%get3A_212, %get3A_213] {strides = array<i32>} : memref<16x32xf32, #tpu.memory_space<vmem>>, vector<1x16xf32>,
      %get3A_215 = vector.shape_cast %get3A_214 : vector<1x16xf32> to vector<16xf32>
      %get3A_216 = arith.constant 14 : i32
      %get3A_217 = arith.index_cast %get3A_216 : i32 to index
      %get3A_218 = arith.constant 16 : index
      %get3A_219 = tpu.vector_load %arg8[%get3A_217, %get3A_218] {strides = array<i32>} : memref<16x32xf32, #tpu.memory_space<vmem>>, vector<1x16xf32>,
      %get3A_220 = vector.shape_cast %get3A_219 : vector<1x16xf32> to vector<16xf32>
      %get3A_221 = arith.constant 15 : i32
      %get3A_222 = arith.index_cast %get3A_221 : i32 to index
      %get3A_223 = arith.constant 16 : index
      %get3A_224 = tpu.vector_load %arg8[%get3A_222, %get3A_223] {strides = array<i32>} : memref<16x32xf32, #tpu.memory_space<vmem>>, vector<1x16xf32>,
      %get3A_225 = vector.shape_cast %get3A_224 : vector<1x16xf32> to vector<16xf32>
      %min3A_226 = arith.minimumf %get3A_70, %get3A_75 : vector<16xf32>
      %min3A_227 = arith.minimumf %min3A_226, %get3A_80 : vector<16xf32>
      %min3A_228 = arith.minimumf %min3A_227, %get3A_85 : vector<16xf32>
      %min3A_229 = arith.minimumf %min3A_228, %get3A_90 : vector<16xf32>
      %min3A_230 = arith.minimumf %min3A_229, %get3A_95 : vector<16xf32>
      %min3A_231 = arith.minimumf %min3A_230, %get3A_100 : vector<16xf32>
      %min3A_232 = arith.minimumf %min3A_231, %get3A_105 : vector<16xf32>
      %min3A_233 = arith.minimumf %min3A_232, %get3A_110 : vector<16xf32>
      %min3A_234 = arith.minimumf %min3A_233, %get3A_115 : vector<16xf32>
      %min3A_235 = arith.minimumf %min3A_234, %get3A_120 : vector<16xf32>
      %min3A_236 = arith.minimumf %min3A_235, %get3A_125 : vector<16xf32>
      %min3A_237 = arith.minimumf %min3A_236, %get3A_130 : vector<16xf32>
      %min3A_238 = arith.minimumf %min3A_237, %get3A_135 : vector<16xf32>
      %min3A_239 = arith.minimumf %min3A_238, %get3A_140 : vector<16xf32>
      %min3A_240 = arith.minimumf %min3A_239, %get3A_145 : vector<16xf32>
      %slice3A_241 = vector.extract_strided_slice %min3A_240 {offsets = [0], sizes = [1], strides = [1]} : vector<16xf32> to vector<1xf32>
      %squeeze3A_242 = vector.extract %slice3A_241[0] : f32 from vector<1xf32>
      %slice3A_243 = vector.extract_strided_slice %min3A_240 {offsets = [1], sizes = [1], strides = [1]} : vector<16xf32> to vector<1xf32>
      %squeeze3A_244 = vector.extract %slice3A_243[0] : f32 from vector<1xf32>
      %min3A_245 = arith.minimumf %squeeze3A_242, %squeeze3A_244 : f32
      %slice3A_246 = vector.extract_strided_slice %min3A_240 {offsets = [2], sizes = [1], strides = [1]} : vector<16xf32> to vector<1xf32>
      %squeeze3A_247 = vector.extract %slice3A_246[0] : f32 from vector<1xf32>
      %min3A_248 = arith.minimumf %min3A_245, %squeeze3A_247 : f32
      %slice3A_249 = vector.extract_strided_slice %min3A_240 {offsets = [3], sizes = [1], strides = [1]} : vector<16xf32> to vector<1xf32>
      %squeeze3A_250 = vector.extract %slice3A_249[0] : f32 from vector<1xf32>
      %min3A_251 = arith.minimumf %min3A_248, %squeeze3A_250 : f32
      %slice3A_252 = vector.extract_strided_slice %min3A_240 {offsets = [4], sizes = [1], strides = [1]} : vector<16xf32> to vector<1xf32>
      %squeeze3A_253 = vector.extract %slice3A_252[0] : f32 from vector<1xf32>
      %min3A_254 = arith.minimumf %min3A_251, %squeeze3A_253 : f32
      %slice3A_255 = vector.extract_strided_slice %min3A_240 {offsets = [5], sizes = [1], strides = [1]} : vector<16xf32> to vector<1xf32>
      %squeeze3A_256 = vector.extract %slice3A_255[0] : f32 from vector<1xf32>
      %min3A_257 = arith.minimumf %min3A_254, %squeeze3A_256 : f32
      %slice3A_258 = vector.extract_strided_slice %min3A_240 {offsets = [6], sizes = [1], strides = [1]} : vector<16xf32> to vector<1xf32>
      %squeeze3A_259 = vector.extract %slice3A_258[0] : f32 from vector<1xf32>
      %min3A_260 = arith.minimumf %min3A_257, %squeeze3A_259 : f32
      %slice3A_261 = vector.extract_strided_slice %min3A_240 {offsets = [7], sizes = [1], strides = [1]} : vector<16xf32> to vector<1xf32>
      %squeeze3A_262 = vector.extract %slice3A_261[0] : f32 from vector<1xf32>
      %min3A_263 = arith.minimumf %min3A_260, %squeeze3A_262 : f32
      %slice3A_264 = vector.extract_strided_slice %min3A_240 {offsets = [8], sizes = [1], strides = [1]} : vector<16xf32> to vector<1xf32>
      %squeeze3A_265 = vector.extract %slice3A_264[0] : f32 from vector<1xf32>
      %min3A_266 = arith.minimumf %min3A_263, %squeeze3A_265 : f32
      %slice3A_267 = vector.extract_strided_slice %min3A_240 {offsets = [9], sizes = [1], strides = [1]} : vector<16xf32> to vector<1xf32>
      %squeeze3A_268 = vector.extract %slice3A_267[0] : f32 from vector<1xf32>
      %min3A_269 = arith.minimumf %min3A_266, %squeeze3A_268 : f32
      %slice3A_270 = vector.extract_strided_slice %min3A_240 {offsets = [10], sizes = [1], strides = [1]} : vector<16xf32> to vector<1xf32>
      %squeeze3A_271 = vector.extract %slice3A_270[0] : f32 from vector<1xf32>
      %min3A_272 = arith.minimumf %min3A_269, %squeeze3A_271 : f32
      %slice3A_273 = vector.extract_strided_slice %min3A_240 {offsets = [11], sizes = [1], strides = [1]} : vector<16xf32> to vector<1xf32>
      %squeeze3A_274 = vector.extract %slice3A_273[0] : f32 from vector<1xf32>
      %min3A_275 = arith.minimumf %min3A_272, %squeeze3A_274 : f32
      %slice3A_276 = vector.extract_strided_slice %min3A_240 {offsets = [12], sizes = [1], strides = [1]} : vector<16xf32> to vector<1xf32>
      %squeeze3A_277 = vector.extract %slice3A_276[0] : f32 from vector<1xf32>
      %min3A_278 = arith.minimumf %min3A_275, %squeeze3A_277 : f32
      %slice3A_279 = vector.extract_strided_slice %min3A_240 {offsets = [13], sizes = [1], strides = [1]} : vector<16xf32> to vector<1xf32>
      %squeeze3A_280 = vector.extract %slice3A_279[0] : f32 from vector<1xf32>
      %min3A_281 = arith.minimumf %min3A_278, %squeeze3A_280 : f32
      %slice3A_282 = vector.extract_strided_slice %min3A_240 {offsets = [14], sizes = [1], strides = [1]} : vector<16xf32> to vector<1xf32>
      %squeeze3A_283 = vector.extract %slice3A_282[0] : f32 from vector<1xf32>
      %min3A_284 = arith.minimumf %min3A_281, %squeeze3A_283 : f32
      %slice3A_285 = vector.extract_strided_slice %min3A_240 {offsets = [15], sizes = [1], strides = [1]} : vector<16xf32> to vector<1xf32>
      %squeeze3A_286 = vector.extract %slice3A_285[0] : f32 from vector<1xf32>
      %min3A_287 = arith.minimumf %min3A_284, %squeeze3A_286 : f32
      %ge3A_288 = arith.constant 5.242880e+05 : f32
      %ge3A_289 = arith.cmpf oge, %min3A_287, %ge3A_288 : f32
      %jit3A = arith.constant 0.000000e+00 : f32
      %select_n3A = arith.select %ge3A_289, %jit3A, %min3A_287 : f32
      %convert_element_type3A_290 = arith.fptosi %select_n3A : f32 to i32
      %shift_right_arithmetic3A = arith.constant 12 : i32
      %shift_right_arithmetic3A_291 = arith.shrsi %convert_element_type3A_290, %shift_right_arithmetic3A : i32
      %and3A = arith.constant 4095 : i32
      %and3A_292 = arith.andi %convert_element_type3A_290, %and3A : i32
      %shift_left3A = arith.constant 16 : i32
      %shift_left3A_293 = arith.shli %shift_right_arithmetic3A_291, %shift_left3A : i32
      %shift_right_arithmetic3A_294 = arith.constant 7 : i32
      %shift_right_arithmetic3A_295 = arith.shrsi %and3A_292, %shift_right_arithmetic3A_294 : i32
      %shift_left3A_296 = arith.constant 9 : i32
      %shift_left3A_297 = arith.shli %shift_right_arithmetic3A_295, %shift_left3A_296 : i32
      %add3A = arith.addi %shift_left3A_293, %shift_left3A_297 : i32
      %and3A_298 = arith.constant 127 : i32
      %and3A_299 = arith.andi %and3A_292, %and3A_298 : i32
      %add3A_300 = arith.addi %add3A, %and3A_299 : i32
      %shift_right_arithmetic3A_301 = arith.constant 2 : i32
      %shift_right_arithmetic3A_302 = vector.broadcast %shift_right_arithmetic3A_301 : i32 to vector<16xi32>
      %shift_right_arithmetic3A_303 = arith.shrsi %iota3A, %shift_right_arithmetic3A_302 : vector<16xi32>
      %shift_left3A_304 = arith.constant 14 : i32
      %shift_left3A_305 = vector.broadcast %shift_left3A_304 : i32 to vector<16xi32>
      %shift_left3A_306 = arith.shli %shift_right_arithmetic3A_303, %shift_left3A_305 : vector<16xi32>
      %add3A_307 = vector.broadcast %add3A_300 : i32 to vector<16xi32>
      %add3A_308 = arith.addi %add3A_307, %shift_left3A_306 : vector<16xi32>
      %and3A_309 = arith.constant 3 : i32
      %and3A_310 = vector.broadcast %and3A_309 : i32 to vector<16xi32>
      %and3A_311 = arith.andi %iota3A, %and3A_310 : vector<16xi32>
      %shift_left3A_312 = arith.constant 7 : i32
      %shift_left3A_313 = vector.broadcast %shift_left3A_312 : i32 to vector<16xi32>
      %shift_left3A_314 = arith.shli %and3A_311, %shift_left3A_313 : vector<16xi32>
      %add3A_315 = arith.addi %add3A_308, %shift_left3A_314 : vector<16xi32>
      %swap3A_316 = arith.constant 0 : index
      %swap3A_317 = tpu.vector_load %arg10[%swap3A_316] {strides = array<i32>} : memref<16xi32, #tpu.memory_space<vmem>>, vector<16xi32>,
      %swap3A_318 = vector.shape_cast %swap3A_317 : vector<16xi32> to vector<16xi32>
      %swap3A_319 = vector.shape_cast %add3A_315 : vector<16xi32> to vector<16xi32>
      tpu.vector_store %arg10[%swap3A_316], %swap3A_319 {strides = array<i32>} : memref<16xi32, #tpu.memory_space<vmem>>, vector<16xi32>,
      %dma_start3A = arith.constant 0 : i32
      %dma_start3A_320 = tpu.memref_slice %arg3[%dma_start3A] : memref<8388608xf32, #tpu.memory_space<hbm>> -> memref<8388608xf32, #tpu.memory_space<hbm>>
      tpu.enqueue_indirect_dma source(%dma_start3A_320 : memref<8388608xf32, #tpu.memory_space<hbm>>) target(%arg11 : memref<16xf32, #tpu.memory_space<vmem>>) offsets(%arg10 : memref<16xi32, #tpu.memory_space<vmem>>) semaphore(%arg13 : memref<!tpu.dma_semaphore, #tpu.memory_space<semaphore_mem>>)
      %eq3A_321 = vector.broadcast %min3A_287 : f32 to vector<16xf32>
      %eq3A_322 = arith.cmpf oeq, %get3A_75, %eq3A_321 : vector<16xf32>
      %select_n3A_323 = arith.select %eq3A_322, %get3A_155, %get3A_150 : vector<16xi1>, vector<16xf32>
      %eq3A_324 = vector.broadcast %min3A_287 : f32 to vector<16xf32>
      %eq3A_325 = arith.cmpf oeq, %get3A_80, %eq3A_324 : vector<16xf32>
      %select_n3A_326 = arith.select %eq3A_325, %get3A_160, %select_n3A_323 : vector<16xi1>, vector<16xf32>
      %eq3A_327 = vector.broadcast %min3A_287 : f32 to vector<16xf32>
      %eq3A_328 = arith.cmpf oeq, %get3A_85, %eq3A_327 : vector<16xf32>
      %select_n3A_329 = arith.select %eq3A_328, %get3A_165, %select_n3A_326 : vector<16xi1>, vector<16xf32>
      %eq3A_330 = vector.broadcast %min3A_287 : f32 to vector<16xf32>
      %eq3A_331 = arith.cmpf oeq, %get3A_90, %eq3A_330 : vector<16xf32>
      %select_n3A_332 = arith.select %eq3A_331, %get3A_170, %select_n3A_329 : vector<16xi1>, vector<16xf32>
      %eq3A_333 = vector.broadcast %min3A_287 : f32 to vector<16xf32>
      %eq3A_334 = arith.cmpf oeq, %get3A_95, %eq3A_333 : vector<16xf32>
      %select_n3A_335 = arith.select %eq3A_334, %get3A_175, %select_n3A_332 : vector<16xi1>, vector<16xf32>
      %eq3A_336 = vector.broadcast %min3A_287 : f32 to vector<16xf32>
      %eq3A_337 = arith.cmpf oeq, %get3A_100, %eq3A_336 : vector<16xf32>
      %select_n3A_338 = arith.select %eq3A_337, %get3A_180, %select_n3A_335 : vector<16xi1>, vector<16xf32>
      %eq3A_339 = vector.broadcast %min3A_287 : f32 to vector<16xf32>
      %eq3A_340 = arith.cmpf oeq, %get3A_105, %eq3A_339 : vector<16xf32>
      %select_n3A_341 = arith.select %eq3A_340, %get3A_185, %select_n3A_338 : vector<16xi1>, vector<16xf32>
      %eq3A_342 = vector.broadcast %min3A_287 : f32 to vector<16xf32>
      %eq3A_343 = arith.cmpf oeq, %get3A_110, %eq3A_342 : vector<16xf32>
      %select_n3A_344 = arith.select %eq3A_343, %get3A_190, %select_n3A_341 : vector<16xi1>, vector<16xf32>
      %eq3A_345 = vector.broadcast %min3A_287 : f32 to vector<16xf32>
      %eq3A_346 = arith.cmpf oeq, %get3A_115, %eq3A_345 : vector<16xf32>
      %select_n3A_347 = arith.select %eq3A_346, %get3A_195, %select_n3A_344 : vector<16xi1>, vector<16xf32>
      %eq3A_348 = vector.broadcast %min3A_287 : f32 to vector<16xf32>
      %eq3A_349 = arith.cmpf oeq, %get3A_120, %eq3A_348 : vector<16xf32>
      %select_n3A_350 = arith.select %eq3A_349, %get3A_200, %select_n3A_347 : vector<16xi1>, vector<16xf32>
      %eq3A_351 = vector.broadcast %min3A_287 : f32 to vector<16xf32>
      %eq3A_352 = arith.cmpf oeq, %get3A_125, %eq3A_351 : vector<16xf32>
      %select_n3A_353 = arith.select %eq3A_352, %get3A_205, %select_n3A_350 : vector<16xi1>, vector<16xf32>
      %eq3A_354 = vector.broadcast %min3A_287 : f32 to vector<16xf32>
      %eq3A_355 = arith.cmpf oeq, %get3A_130, %eq3A_354 : vector<16xf32>
      %select_n3A_356 = arith.select %eq3A_355, %get3A_210, %select_n3A_353 : vector<16xi1>, vector<16xf32>
      %eq3A_357 = vector.broadcast %min3A_287 : f32 to vector<16xf32>
      %eq3A_358 = arith.cmpf oeq, %get3A_135, %eq3A_357 : vector<16xf32>
      %select_n3A_359 = arith.select %eq3A_358, %get3A_215, %select_n3A_356 : vector<16xi1>, vector<16xf32>
      %eq3A_360 = vector.broadcast %min3A_287 : f32 to vector<16xf32>
      %eq3A_361 = arith.cmpf oeq, %get3A_140, %eq3A_360 : vector<16xf32>
      %select_n3A_362 = arith.select %eq3A_361, %get3A_220, %select_n3A_359 : vector<16xi1>, vector<16xf32>
      %eq3A_363 = vector.broadcast %min3A_287 : f32 to vector<16xf32>
      %eq3A_364 = arith.cmpf oeq, %get3A_145, %eq3A_363 : vector<16xf32>
      %select_n3A_365 = arith.select %eq3A_364, %get3A_225, %select_n3A_362 : vector<16xi1>, vector<16xf32>
      %slice3A_366 = vector.extract_strided_slice %select_n3A_365 {offsets = [0], sizes = [1], strides = [1]} : vector<16xf32> to vector<1xf32>
      %squeeze3A_367 = vector.extract %slice3A_366[0] : f32 from vector<1xf32>
      %slice3A_368 = vector.extract_strided_slice %min3A_240 {offsets = [1], sizes = [1], strides = [1]} : vector<16xf32> to vector<1xf32>
      %squeeze3A_369 = vector.extract %slice3A_368[0] : f32 from vector<1xf32>
      %eq3A_370 = arith.cmpf oeq, %squeeze3A_369, %min3A_287 : f32
      %slice3A_371 = vector.extract_strided_slice %select_n3A_365 {offsets = [1], sizes = [1], strides = [1]} : vector<16xf32> to vector<1xf32>
      %squeeze3A_372 = vector.extract %slice3A_371[0] : f32 from vector<1xf32>
      %select_n3A_373 = arith.select %eq3A_370, %squeeze3A_372, %squeeze3A_367 : f32
      %slice3A_374 = vector.extract_strided_slice %min3A_240 {offsets = [2], sizes = [1], strides = [1]} : vector<16xf32> to vector<1xf32>
      %squeeze3A_375 = vector.extract %slice3A_374[0] : f32 from vector<1xf32>
      %eq3A_376 = arith.cmpf oeq, %squeeze3A_375, %min3A_287 : f32
      %slice3A_377 = vector.extract_strided_slice %select_n3A_365 {offsets = [2], sizes = [1], strides = [1]} : vector<16xf32> to vector<1xf32>
      %squeeze3A_378 = vector.extract %slice3A_377[0] : f32 from vector<1xf32>
      %select_n3A_379 = arith.select %eq3A_376, %squeeze3A_378, %select_n3A_373 : f32
      %slice3A_380 = vector.extract_strided_slice %min3A_240 {offsets = [3], sizes = [1], strides = [1]} : vector<16xf32> to vector<1xf32>
      %squeeze3A_381 = vector.extract %slice3A_380[0] : f32 from vector<1xf32>
      %eq3A_382 = arith.cmpf oeq, %squeeze3A_381, %min3A_287 : f32
      %slice3A_383 = vector.extract_strided_slice %select_n3A_365 {offsets = [3], sizes = [1], strides = [1]} : vector<16xf32> to vector<1xf32>
      %squeeze3A_384 = vector.extract %slice3A_383[0] : f32 from vector<1xf32>
      %select_n3A_385 = arith.select %eq3A_382, %squeeze3A_384, %select_n3A_379 : f32
      %slice3A_386 = vector.extract_strided_slice %min3A_240 {offsets = [4], sizes = [1], strides = [1]} : vector<16xf32> to vector<1xf32>
      %squeeze3A_387 = vector.extract %slice3A_386[0] : f32 from vector<1xf32>
      %eq3A_388 = arith.cmpf oeq, %squeeze3A_387, %min3A_287 : f32
      %slice3A_389 = vector.extract_strided_slice %select_n3A_365 {offsets = [4], sizes = [1], strides = [1]} : vector<16xf32> to vector<1xf32>
      %squeeze3A_390 = vector.extract %slice3A_389[0] : f32 from vector<1xf32>
      %select_n3A_391 = arith.select %eq3A_388, %squeeze3A_390, %select_n3A_385 : f32
      %slice3A_392 = vector.extract_strided_slice %min3A_240 {offsets = [5], sizes = [1], strides = [1]} : vector<16xf32> to vector<1xf32>
      %squeeze3A_393 = vector.extract %slice3A_392[0] : f32 from vector<1xf32>
      %eq3A_394 = arith.cmpf oeq, %squeeze3A_393, %min3A_287 : f32
      %slice3A_395 = vector.extract_strided_slice %select_n3A_365 {offsets = [5], sizes = [1], strides = [1]} : vector<16xf32> to vector<1xf32>
      %squeeze3A_396 = vector.extract %slice3A_395[0] : f32 from vector<1xf32>
      %select_n3A_397 = arith.select %eq3A_394, %squeeze3A_396, %select_n3A_391 : f32
      %slice3A_398 = vector.extract_strided_slice %min3A_240 {offsets = [6], sizes = [1], strides = [1]} : vector<16xf32> to vector<1xf32>
      %squeeze3A_399 = vector.extract %slice3A_398[0] : f32 from vector<1xf32>
      %eq3A_400 = arith.cmpf oeq, %squeeze3A_399, %min3A_287 : f32
      %slice3A_401 = vector.extract_strided_slice %select_n3A_365 {offsets = [6], sizes = [1], strides = [1]} : vector<16xf32> to vector<1xf32>
      %squeeze3A_402 = vector.extract %slice3A_401[0] : f32 from vector<1xf32>
      %select_n3A_403 = arith.select %eq3A_400, %squeeze3A_402, %select_n3A_397 : f32
      %slice3A_404 = vector.extract_strided_slice %min3A_240 {offsets = [7], sizes = [1], strides = [1]} : vector<16xf32> to vector<1xf32>
      %squeeze3A_405 = vector.extract %slice3A_404[0] : f32 from vector<1xf32>
      %eq3A_406 = arith.cmpf oeq, %squeeze3A_405, %min3A_287 : f32
      %slice3A_407 = vector.extract_strided_slice %select_n3A_365 {offsets = [7], sizes = [1], strides = [1]} : vector<16xf32> to vector<1xf32>
      %squeeze3A_408 = vector.extract %slice3A_407[0] : f32 from vector<1xf32>
      %select_n3A_409 = arith.select %eq3A_406, %squeeze3A_408, %select_n3A_403 : f32
      %slice3A_410 = vector.extract_strided_slice %min3A_240 {offsets = [8], sizes = [1], strides = [1]} : vector<16xf32> to vector<1xf32>
      %squeeze3A_411 = vector.extract %slice3A_410[0] : f32 from vector<1xf32>
      %eq3A_412 = arith.cmpf oeq, %squeeze3A_411, %min3A_287 : f32
      %slice3A_413 = vector.extract_strided_slice %select_n3A_365 {offsets = [8], sizes = [1], strides = [1]} : vector<16xf32> to vector<1xf32>
      %squeeze3A_414 = vector.extract %slice3A_413[0] : f32 from vector<1xf32>
      %select_n3A_415 = arith.select %eq3A_412, %squeeze3A_414, %select_n3A_409 : f32
      %slice3A_416 = vector.extract_strided_slice %min3A_240 {offsets = [9], sizes = [1], strides = [1]} : vector<16xf32> to vector<1xf32>
      %squeeze3A_417 = vector.extract %slice3A_416[0] : f32 from vector<1xf32>
      %eq3A_418 = arith.cmpf oeq, %squeeze3A_417, %min3A_287 : f32
      %slice3A_419 = vector.extract_strided_slice %select_n3A_365 {offsets = [9], sizes = [1], strides = [1]} : vector<16xf32> to vector<1xf32>
      %squeeze3A_420 = vector.extract %slice3A_419[0] : f32 from vector<1xf32>
      %select_n3A_421 = arith.select %eq3A_418, %squeeze3A_420, %select_n3A_415 : f32
      %slice3A_422 = vector.extract_strided_slice %min3A_240 {offsets = [10], sizes = [1], strides = [1]} : vector<16xf32> to vector<1xf32>
      %squeeze3A_423 = vector.extract %slice3A_422[0] : f32 from vector<1xf32>
      %eq3A_424 = arith.cmpf oeq, %squeeze3A_423, %min3A_287 : f32
      %slice3A_425 = vector.extract_strided_slice %select_n3A_365 {offsets = [10], sizes = [1], strides = [1]} : vector<16xf32> to vector<1xf32>
      %squeeze3A_426 = vector.extract %slice3A_425[0] : f32 from vector<1xf32>
      %select_n3A_427 = arith.select %eq3A_424, %squeeze3A_426, %select_n3A_421 : f32
      %slice3A_428 = vector.extract_strided_slice %min3A_240 {offsets = [11], sizes = [1], strides = [1]} : vector<16xf32> to vector<1xf32>
      %squeeze3A_429 = vector.extract %slice3A_428[0] : f32 from vector<1xf32>
      %eq3A_430 = arith.cmpf oeq, %squeeze3A_429, %min3A_287 : f32
      %slice3A_431 = vector.extract_strided_slice %select_n3A_365 {offsets = [11], sizes = [1], strides = [1]} : vector<16xf32> to vector<1xf32>
      %squeeze3A_432 = vector.extract %slice3A_431[0] : f32 from vector<1xf32>
      %select_n3A_433 = arith.select %eq3A_430, %squeeze3A_432, %select_n3A_427 : f32
      %slice3A_434 = vector.extract_strided_slice %min3A_240 {offsets = [12], sizes = [1], strides = [1]} : vector<16xf32> to vector<1xf32>
      %squeeze3A_435 = vector.extract %slice3A_434[0] : f32 from vector<1xf32>
      %eq3A_436 = arith.cmpf oeq, %squeeze3A_435, %min3A_287 : f32
      %slice3A_437 = vector.extract_strided_slice %select_n3A_365 {offsets = [12], sizes = [1], strides = [1]} : vector<16xf32> to vector<1xf32>
      %squeeze3A_438 = vector.extract %slice3A_437[0] : f32 from vector<1xf32>
      %select_n3A_439 = arith.select %eq3A_436, %squeeze3A_438, %select_n3A_433 : f32
      %slice3A_440 = vector.extract_strided_slice %min3A_240 {offsets = [13], sizes = [1], strides = [1]} : vector<16xf32> to vector<1xf32>
      %squeeze3A_441 = vector.extract %slice3A_440[0] : f32 from vector<1xf32>
      %eq3A_442 = arith.cmpf oeq, %squeeze3A_441, %min3A_287 : f32
      %slice3A_443 = vector.extract_strided_slice %select_n3A_365 {offsets = [13], sizes = [1], strides = [1]} : vector<16xf32> to vector<1xf32>
      %squeeze3A_444 = vector.extract %slice3A_443[0] : f32 from vector<1xf32>
      %select_n3A_445 = arith.select %eq3A_442, %squeeze3A_444, %select_n3A_439 : f32
      %slice3A_446 = vector.extract_strided_slice %min3A_240 {offsets = [14], sizes = [1], strides = [1]} : vector<16xf32> to vector<1xf32>
      %squeeze3A_447 = vector.extract %slice3A_446[0] : f32 from vector<1xf32>
      %eq3A_448 = arith.cmpf oeq, %squeeze3A_447, %min3A_287 : f32
      %slice3A_449 = vector.extract_strided_slice %select_n3A_365 {offsets = [14], sizes = [1], strides = [1]} : vector<16xf32> to vector<1xf32>
      %squeeze3A_450 = vector.extract %slice3A_449[0] : f32 from vector<1xf32>
      %select_n3A_451 = arith.select %eq3A_448, %squeeze3A_450, %select_n3A_445 : f32
      %slice3A_452 = vector.extract_strided_slice %min3A_240 {offsets = [15], sizes = [1], strides = [1]} : vector<16xf32> to vector<1xf32>
      %squeeze3A_453 = vector.extract %slice3A_452[0] : f32 from vector<1xf32>
      %eq3A_454 = arith.cmpf oeq, %squeeze3A_453, %min3A_287 : f32
      %slice3A_455 = vector.extract_strided_slice %select_n3A_365 {offsets = [15], sizes = [1], strides = [1]} : vector<16xf32> to vector<1xf32>
      %squeeze3A_456 = vector.extract %slice3A_455[0] : f32 from vector<1xf32>
      %select_n3A_457 = arith.select %eq3A_454, %squeeze3A_456, %select_n3A_451 : f32
      %get3A_458 = arith.constant 0 : index
      %get3A_459 = tpu.vector_load %arg6[%get3A_458] {strides = array<i32>} : memref<32768xf32, #tpu.memory_space<vmem>>, vector<16xf32>,
      %get3A_460 = vector.shape_cast %get3A_459 : vector<16xf32> to vector<16xf32>
      %ge3A_461 = arith.constant 5.242880e+05 : f32
      %ge3A_462 = arith.cmpf oge, %min3A_287, %ge3A_461 : f32
      %slice3A_463 = vector.extract_strided_slice %get3A_460 {offsets = [0], sizes = [1], strides = [1]} : vector<16xf32> to vector<1xf32>
      %squeeze3A_464 = vector.extract %slice3A_463[0] : f32 from vector<1xf32>
      %select_n3A_465 = arith.select %ge3A_462, %squeeze3A_464, %select_n3A_457 : f32
      %mul3A_466 = arith.constant 0.000000e+00 : f32
      %mul3A_467 = vector.broadcast %mul3A_466 : f32 to vector<16xf32>
      %mul3A_468 = arith.mulf %convert_element_type3A, %mul3A_467 : vector<16xf32>
      %add3A_469 = vector.broadcast %select_n3A_465 : f32 to vector<16xf32>
      %add3A_470 = arith.addf %mul3A_468, %add3A_469 : vector<16xf32>
      %sub3A = arith.constant 0.000000e+00 : f32
      %sub3A_471 = vector.broadcast %sub3A : f32 to vector<16xf32>
      %sub3A_472 = arith.subf %sub3A_471, %add3A_470 : vector<16xf32>
      %exp3A = math.exp %sub3A_472 : vector<16xf32>
      %add3A_473 = arith.constant 1.000000e+00 : f32
      %add3A_474 = vector.broadcast %add3A_473 : f32 to vector<16xf32>
      %add3A_475 = arith.addf %add3A_474, %exp3A : vector<16xf32>
      %div3A = arith.constant 1.000000e+00 : f32
      %div3A_476 = vector.broadcast %div3A : f32 to vector<16xf32>
      %div3A_477 = arith.divf %div3A_476, %add3A_475 : vector<16xf32>
      %eq3A_478 = arith.constant 0 : i32
      %eq3A_479 = vector.broadcast %eq3A_478 : i32 to vector<16xi32>
      %eq3A_480 = arith.cmpi eq, %iota3A, %eq3A_479 : vector<16xi32>
      %jit3A_481 = arith.constant 0.000000e+00 : f32
      %broadcast_in_dim3A_482 = vector.broadcast %jit3A_481 : f32 to vector<16xf32>
      %select_n3A_483 = arith.select %eq3A_480, %div3A_477, %broadcast_in_dim3A_482 : vector<16xi1>, vector<16xf32>
      %swap3A_484 = arith.constant 0 : index
      %swap3A_485 = tpu.vector_load %arg9[%swap3A_484] {strides = array<i32>} : memref<16xf32, #tpu.memory_space<vmem>>, vector<16xf32>,
      %swap3A_486 = vector.shape_cast %swap3A_485 : vector<16xf32> to vector<16xf32>
      %swap3A_487 = vector.shape_cast %select_n3A_483 : vector<16xf32> to vector<16xf32>
      tpu.vector_store %arg9[%swap3A_484], %swap3A_487 {strides = array<i32>} : memref<16xf32, #tpu.memory_space<vmem>>, vector<16xf32>,
      "tpu.region"() ({
        %run_scoped3A = tpu.sem_alloc : memref<!tpu.dma_semaphore, #tpu.memory_space<semaphore_mem>>
        tpu.enqueue_dma source(%arg9 : memref<16xf32, #tpu.memory_space<vmem>>) target(%arg4 : memref<16xf32, #tpu.memory_space<hbm>>) target_semaphore(%run_scoped3A : memref<!tpu.dma_semaphore, #tpu.memory_space<semaphore_mem>>)
        tpu.wait_dma2 semaphore(%run_scoped3A : memref<!tpu.dma_semaphore, #tpu.memory_space<semaphore_mem>>) src(%arg9 : memref<16xf32, #tpu.memory_space<vmem>>) dst(%arg4 : memref<16xf32, #tpu.memory_space<hbm>>)
        tpu.yield
      }) : () -> ()
      %dma_wait3A = arith.constant 0 : i32
      %dma_wait3A_488 = tpu.memref_slice %arg3[%dma_wait3A] : memref<8388608xf32, #tpu.memory_space<hbm>> -> memref<8388608xf32, #tpu.memory_space<hbm>>
      tpu.wait_indirect_dma semaphore(%arg13 : memref<!tpu.dma_semaphore, #tpu.memory_space<semaphore_mem>>) src(%dma_wait3A_488 : memref<8388608xf32, #tpu.memory_space<hbm>>) dst(%arg11 : memref<16xf32, #tpu.memory_space<vmem>>)
      "tpu.region"() ({
        %run_scoped3A = tpu.sem_alloc : memref<!tpu.dma_semaphore, #tpu.memory_space<semaphore_mem>>
        tpu.enqueue_dma source(%arg11 : memref<16xf32, #tpu.memory_space<vmem>>) target(%arg5 : memref<16xf32, #tpu.memory_space<hbm>>) target_semaphore(%run_scoped3A : memref<!tpu.dma_semaphore, #tpu.memory_space<semaphore_mem>>)
        tpu.wait_dma2 semaphore(%run_scoped3A : memref<!tpu.dma_semaphore, #tpu.memory_space<semaphore_mem>>) src(%arg11 : memref<16xf32, #tpu.memory_space<vmem>>) dst(%arg5 : memref<16xf32, #tpu.memory_space<hbm>>)
        tpu.yield
      }) : () -> ()
    } else {
    }
    return
  }
}

</mosaic_0001>

<sc_bundles>
// kernel: _first_grasp.3.cloned.1.call-start
scs
__scs_entry_jumppad:
0x0: {  	(pc) =	sbr.rel $0x88, $3  }
0x1: {  	(tag) =	ssettag $0x0;
	lr =	simm.s32 $0x1  }
0x2: {  	[smem:$0x3F9F] =	sst lr;
	_ =	strace $0xD0000000  }
0x3: {  	_ = 	snop  }
0x4: {  	_ = 	snop  }
0x5: {  	_ = 	snop  }
0x6: {  	_ = 	snop  }
0x7: {  	_ = 	snop  }
__scs_overlays_trampoline_lowered:
0x8: {  	[smem:$0x3FAE] =	sst s0  }
0x9: {  	[smem:$0x3FAF] =	sst s1  }
0xa: {  	[smem:$0x3FB0] =	sst s2  }
0xb: {  	[smem:$0x3FB1] =	sst s3  }
0xc: {  	[smem:$0x3FB2] =	sst s4  }
0xd: {  	[smem:$0x3FB3] =	sst s5  }
0xe: {  	[smem:$0x3FB4] =	sst s6  }
0xf: {  	[smem:$0x3FB5] =	sst s7  }
0x10: {  	[smem:$0x3FB6] =	sst s8  }
0x11: {  	[smem:$0x3FB7] =	sst s9;
	s0 =	simm.s32 @!p0 $0x0  }
0x12: {  	s1 =	sld [smem:$0x3F9D];
	s0 =	simm.s32 @p0 $0x1  }
0x13: {  	[smem:$0x3FB8] =	sst s0;
	s0 =	simm.s32 @!p1 $0x0  }
0x14: {  	s2 =	sld [smem:$0x3F9C];
	s0 =	simm.s32 @p1 $0x1  }
0x15: {  	[smem:$0x3FB9] =	sst s0;
	s0 =	simm.s32 @!p2 $0x0  }
0x16: {  	s3 =	sld [smem:$0x3FDB];
	s0 =	simm.s32 @p2 $0x1  }
0x17: {  	s4 =	simm.s32 $0x1BF5;
	[smem:$0x3FBB] =	sst s0  }
0x18: {  	s0 =	sld [smem:$0x3F9E];
	_ =	swait.ge [sflag:s4], $0x0  }
0x19: {  	s7 =	sld [smem:$0x3F9F]  }
0x1a: {  	s8 =	sadd.s32 $0xFFFFE003, lr  }
0x1b: {  	s9 =	sadd.s32 $0xFFFFFEF7, lr;
	s5 =	simm.s32 $0xFFFFFFFF;
	p2 =	slt.u32 s8, $0xFFFFF086  }
0x1c: {  	p1 =	slt.u32 s9, $0xF7A;
	s5 =	simm.s32 @!p2 $0x0  }
0x1d: {  	s5 =	simm.s32 @p1 $0x1;
	p0 =	seq.s32 s7, s2  }
0x1e: {  	s7 =	smul.u32 @!p0 $0xF7A, s2;
	p2 =	seq.s32 @!p0 s5, $0x0  }
0x1f: {  	s9 =	smul.u32 $0xF7A, s1;
	s8 =	simm.s32 @!p0 $0x1BF5;
	p2 =	por !p2, p0  }
0x20: {  	[sflag:s8] =	ssyncset.s32 @!p0 $0xFFFFF086;
	s6 =	sadd.s32 @!p0 s3, s7;
	s7 =	simm.s32 @!p0 $0x108  }
0x21: {  	s3 =	sadd.s32 s3, s9;
	s6 =	sadd.s32 @!p0 $0x88, s6;
	s7 =	simm.s32 @p2 $0x1082  }
0x22: {  	[simem:s7], [sflag:s8] =	dma.local @!p0 [hbm:s6], $0xF7A  }
0x23: {  	s9 =	sor.u32 $0xD0000000, s2;
	s6 =	simm.s32 $0x108;
	_ =	swait.ge @!p0 [sflag:s8], $0x0  }
0x24: {  	s3 =	sadd.s32 $0x88, s3;
	s6 =	simm.s32 @!p1 $0x1082;
	[sflag:s4] =	ssyncset.s32 $0xFFFFF086  }
0x25: {  	[simem:s6], [sflag:s4] =	dma.local [hbm:s3], $0xF7A  }
0x26: {  	[smem:$0x3F9F] =	sst s1;
	(tag) =	ssettag s2;
	_ =	strace s9  }
0x27: {  	s1 =	sld [smem:$0x3FAF]  }
0x28: {  	s2 =	sld [smem:$0x3FB0]  }
0x29: {  	s4 =	sld [smem:$0x3FB2]  }
0x2a: {  	p0 =	seq.s32 s5, $0x0;
	s5 =	sld [smem:$0x3FB3]  }
0x2b: {  	s6 =	sld [smem:$0x3FB4]  }
0x2c: {  	s7 =	sld [smem:$0x3FB5]  }
0x2d: {  	s3 =	simm.s32 $0x108;
	s8 =	sld [smem:$0x3FB6]  }
0x2e: {  	s3 =	simm.s32 @!p0 $0x1082;
	s9 =	sld [smem:$0x3FB7]  }
0x2f: {  	lr =	sadd.s32 s0, s3;
	s0 =	sld [smem:$0x3FAE]  }
0x30: {  	s3 =	sld [smem:$0x3FB1]  }
0x31: {  	[smem:$0x3FBA] =	sst s10  }
0x32: {  	s10 =	sld [smem:$0x3FB8];
	_ =	sdelay $0x3  }
0x33: {  	p0 =	seq.s32 s10, $0x1;
	s10 =	sld [smem:$0x3FBA];
	_ =	sdelay $0x3  }
0x34: {  	[smem:$0x3FBA] =	sst s10  }
0x35: {  	s10 =	sld [smem:$0x3FB9];
	_ =	sdelay $0x3  }
0x36: {  	p1 =	seq.s32 s10, $0x1;
	s10 =	sld [smem:$0x3FBA];
	_ =	sdelay $0x3  }
0x37: {  	[smem:$0x3FBA] =	sst s10  }
0x38: {  	s10 =	sld [smem:$0x3FBB]  }
0x39: {  	_ = 	snop;
	(pc) =	sbr.ind lr, $3  }
0x3a: {  	_ = 	snop  }
0x3b: {  	_ = 	snop  }
0x3c: {  	p2 =	seq.s32 s10, $0x1;
	s10 =	sld [smem:$0x3FBA]  }
0x3d: {  	_ =	shalt  }
0x3e: {  	_ =	shalt  }
0x3f: {  	_ =	shalt  }
0x40: {  	_ =	shalt  }
0x41: {  	_ =	shalt  }
0x42: {  	_ =	shalt  }
0x43: {  	_ =	shalt  }
0x44: {  	_ =	shalt  }
0x45: {  	_ =	shalt  }
0x46: {  	_ =	shalt  }
0x47: {  	_ =	shalt  }
0x48: {  	_ =	shalt  }
0x49: {  	_ =	shalt  }
0x4a: {  	_ =	shalt  }
0x4b: {  	_ =	shalt  }
0x4c: {  	_ =	shalt  }
0x4d: {  	_ =	shalt  }
0x4e: {  	_ =	shalt  }
0x4f: {  	_ =	shalt  }
0x50: {  	_ =	shalt  }
0x51: {  	_ =	shalt  }
0x52: {  	_ =	shalt  }
0x53: {  	_ =	shalt  }
0x54: {  	_ =	shalt  }
0x55: {  	_ =	shalt  }
0x56: {  	_ =	shalt  }
0x57: {  	_ =	shalt  }
0x58: {  	_ =	shalt  }
0x59: {  	_ =	shalt  }
0x5a: {  	_ =	shalt  }
0x5b: {  	_ =	shalt  }
0x5c: {  	_ =	shalt  }
0x5d: {  	_ =	shalt  }
0x5e: {  	_ =	shalt  }
0x5f: {  	_ =	shalt  }
0x60: {  	_ =	shalt  }
0x61: {  	_ =	shalt  }
0x62: {  	_ =	shalt  }
0x63: {  	_ =	shalt  }
0x64: {  	_ =	shalt  }
0x65: {  	_ =	shalt  }
0x66: {  	_ =	shalt  }
0x67: {  	_ =	shalt  }
0x68: {  	_ =	shalt  }
0x69: {  	_ =	shalt  }
0x6a: {  	_ =	shalt  }
0x6b: {  	_ =	shalt  }
0x6c: {  	_ =	shalt  }
0x6d: {  	_ =	shalt  }
0x6e: {  	_ =	shalt  }
0x6f: {  	_ =	shalt  }
0x70: {  	_ =	shalt  }
0x71: {  	_ =	shalt  }
0x72: {  	_ =	shalt  }
0x73: {  	_ =	shalt  }
0x74: {  	_ =	shalt  }
0x75: {  	_ =	shalt  }
0x76: {  	_ =	shalt  }
0x77: {  	_ =	shalt  }
0x78: {  	_ =	shalt  }
0x79: {  	_ =	shalt  }
0x7a: {  	_ =	shalt  }
0x7b: {  	_ =	shalt  }
0x7c: {  	_ =	shalt  }
0x7d: {  	_ =	shalt  }
0x7e: {  	_ =	shalt  }
0x7f: {  	_ =	shalt  }
0x80: {  	_ =	shalt  }
0x81: {  	_ =	shalt  }
0x82: {  	_ =	shalt  }
0x83: {  	_ =	shalt  }
0x84: {  	_ =	shalt  }
0x85: {  	_ =	shalt  }
0x86: {  	_ =	shalt  }
0x87: {  	_ =	shalt  }
.Lfunc_end0:
.L_simem_size_0:
called_computation_lowered:
.L_overlay_start_0:
0x88: {  	s0 =	sld [smem:$0x3FD9]  }
0x89: {  	s1 =	sld [smem:$0x3FFE];
	_ =	sdelay $0x3  }
0x8a: {  	s0 =	sadd.s32 s1, s0  }
0x8b: {  	[smem:$0x3FC6] =	sst s0  }
0x8c: {  	_ = 	snop  }
0x8d: {  	s14 =	sld [smem:$0x3FD0];
	_ =	sdelay $0x1  }
0x8e: {  	s2 =	sld [smem:$0x3FC9]  }
0x8f: {  	s4 =	simm.s32 $0xA;
	s5 =	simm.s32 $0x10;
	s3 =	sld [smem:$0x3FC8]  }
0x90: {  	[smem:s5], [sflag:s4] =	dma.local [hbm:s14], $0x1  }
0x91: {  	_ =	swait.eq [sflag:s4], $0x1  }
0x92: {  	[sflag:s4] =	ssyncset.done $0x0  }
0x93: {  	s15 =	sld [smem:$0x10];
	[sflag:s4] =	ssyncadd.s32 $0xFFFFFFFF  }
0x94: {  	s16 =	sld [smem:$0x11];
	(tm) =	ssettm $0x1  }
0x95: {  	s17 =	sld [smem:$0x3FFB];
	_ =	sdelay $0x3  }
0x96: {  	_ =	strace s17  }
0x97: {  	s5 =	sld [smem:$0x3FFC];
	_ =	sdelay $0x3  }
0x98: {  	_ =	strace s5  }
0x99: {  	s5 =	sld [smem:$0x3FFD];
	_ =	sdelay $0x3  }
0x9a: {  	_ =	strace s5  }
0x9b: {  	_ =	strace $0x8FFFFFFF  }
0x9c: {  	s18 =	sld [smem:$0x3FDB];
	_ =	sdelay $0x1  }
0x9d: {  	s6 =	simm.s32 $_scs_section_size  }
0x9e: {  	s7 =	simm.s32 $_size__tile_overlayer_lowered;
	s8 =	simm.s32 $_tile_overlayer_lowered  }
0x9f: {  	s21 =	simm.s32 $0x1BFF;
	s20 =	sshll.u32 s8, $0x1;
	s5 =	sadd.s32 s6, s18  }
0xa0: {  	s9 =	simm.s32 $0x0;
	s19 =	sshll.u32 s7, $0x1;
	s7 =	sadd.s32 s20, s5  }
0xa1: {  	[timem:s9], [sflag:s21] =	dma.local [hbm:s7], s19  }
0xa2: {  	_ =	swait.ge [sflag:s21], s19  }
0xa3: {  	s6 =	ssub.s32 $0x0, s19;
	[sflag:s21] =	ssyncset.done $0x0  }
0xa4: {  	[sflag:s21] =	ssyncadd.s32 s6;
	_ =	sdelay $0x1  }
0xa5: {  	s22 =	simm.s32 $0x1B8B  }
0xa6: {  	_ =	swait.ge [sflag:s22], $0x1  }
0xa7: {  	[sflag:s22] =	ssyncset.done $0x0  }
0xa8: {  	s23 =	simm.s32 $0x1B8E;
	[sflag:s22] =	ssyncadd.s32 $0xFFFFFFFF  }
0xa9: {  	s24 =	simm.s32 $execute0_lowered;
	[smem:$0x3FD2] =	sst s23  }
0xaa: {  	s6 =	sshll.u32 s24, $0x1;
	_ =	strace $0x80000046;
	[dreg:$0x1] =	wrdreg $0xFFFFFFFF  }
0xab: {  	s25 =	simm.s32 $_size_execute0_lowered;
	s5 =	sadd.s32 s5, s6;
	[dreg:$0x0] =	wrdreg $0x0  }
0xac: {  	s6 =	sshll.u32 s25, $0x1;
	[dreg:$0x2] =	wrdreg s5  }
0xad: {  	[dreg:$0x3] =	wrdreg s6  }
0xae: {  	[dreg:$0x4] =	wrdreg $0xC0  }
0xaf: {  	_ =	task [dreg:s9], $0x5FFFF  }
0xb0: {  	[dreg:$0x1] =	wrdreg $0xFFFFFFFF  }
0xb1: {  	[dreg:$0x0] =	wrdreg $0x60  }
0xb2: {  	[dreg:$0x2] =	wrdreg s2  }
0xb3: {  	[dreg:$0x3] =	wrdreg s3  }
0xb4: {  	[dreg:$0x4] =	wrdreg s15  }
0xb5: {  	s0 =	sadd.s32 $0x400, s0;
	[dreg:$0x5] =	wrdreg s16  }
0xb6: {  	[dreg:$0x6] =	wrdreg s0  }
0xb7: {  	[dreg:$0x7] =	wrdreg $0x9  }
0xb8: {  	_ =	task.clear_ibuf [dreg:s9], $0x8FFFF;
	_ =	strace $0x90000046  }
0xb9: {  	s26 =	simm.s32 $0x9;
	_ =	strace $0x80000048  }
0xba: {  	_ =	swait.ge [sflag:s26], $0x1  }
0xbb: {  	[sflag:s26] =	ssyncadd.s32 $0xFFFFFFFF  }
0xbc: {  	_ =	strace $0x90000048  }
0xbd: {  	_ =	sfence  }
0xbe: {  	s28 =	sld [smem:$0x0];
	_ =	sdelay $0x1  }
0xbf: {  	s29 =	srdreg.scid  }
0xc0: {  	s30 =	sshll.u32 s29, $0xD;
	s31 =	sshrl.u32 s29, $0x2  }
0xc1: {  	s1 =	sand.u32 $0x1, s29;
	s2 =	sand.u32 $0x4000, s30;
	s0 =	sadd.s32 s31, s28  }
0xc2: {  	s1 =	sor.u32 s2, s1;
	s0 =	sshll.u32 s0, $0x11  }
0xc3: {  	s0 =	sor.u32 s0, s1  }
0xc4: {  	s0 =	sadd.s32 $0x8F2B, s0  }
0xc5: {  	[sflag:s0] =	ssyncadd.remote.s32 $0x1  }
0xc6: {  	_ =	sfence.sel $0xFFFF  }
0xc7: {  	[dreg:$0x0] =	wrdreg $0xFFFFFFFF;
	(pc) =	sbr.abs _section_cstart, $3  }
0xc8: {  	[dreg:$0x1] =	wrdreg $0xFFFFFFFF  }
0xc9: {  	_ =	task.clear_ibuf [dreg:s9], $0x2FFFF;
	_ =	strace $0x9FFFFFFF  }
0xca: {  	(tm) =	ssettm $0x7FFFFFFF  }
0xcb: {  	_ =	shalt  }
tec
execute0_lowered:
.L_overlay_start_1:
0x0: {  	(tag) =	ssettag $0x1  }
0x1: {  	v0 =	vimm.f32 $1.500000000e+01;
	vm3 =	vcmask $0x300;
	s4 =	rddreg [dreg:$0x0]  }
0x2: {  	vm1 =	vcmask $0x704;
	s3 =	rddreg [dreg:$0x1];
	v0 =	vsel vm3, $0x0, v0  }
0x3: {  	vm0 =	vcmask $0xB08;
	s2 =	rddreg [dreg:$0x2];
	v0 =	vsel vm1, $0x3F800000, v0  }
0x4: {  	vm2 =	vcmask $0xF0C;
	s1 =	rddreg [dreg:$0x3];
	v0 =	vsel vm0, $0x40000000, v0  }
0x5: {  	vm4 =	vcmask $0x1310;
	s6 =	rddreg [dreg:$0x4];
	v0 =	vsel vm2, $0x40400000, v0  }
0x6: {  	vm5 =	vcmask $0x1714;
	s0 =	rddreg [dreg:$0x5];
	s8 =	simm.s32 $0x0;
	s7 =	stileid.u32;
	v0 =	vsel vm4, $0x40800000, v0  }
0x7: {  	vm6 =	vcmask $0x1B18;
	[smem:$0x7FF] =	sst s8;
	s5 =	sshll.u32 s7, $0xC;
	v0 =	vsel vm5, $0x40A00000, v0  }
0x8: {  	vm7 =	vcmask $0x1F1C;
	s30 =	simm.s32 $0x2;
	_ =	strace $0x80000047;
	s5 =	sadd.s32 s4, s5;
	v0 =	vsel vm6, $0x40C00000, v0  }
0x9: {  	vm8 =	vcmask $0x2320;
	[tilespmem:s8], [sflag:$0x2] =	stream.linear.gather [hbm4b:s5+s8], $0x80, $0x38;
	v0 =	vsel vm7, $0x40E00000, v0;
	[tilespmem:$0x8A00] =	vst v63  }
0xa: {  	vm9 =	vcmask $0x2724;
	_ =	swait.ge [sflag:s30], $0x80;
	v0 =	vsel vm8, $0x41000000, v0  }
0xb: {  	vm13 =	vcmask $0x2B28;
	[sflag:s30] =	ssyncset.done $0x0;
	v0 =	vsel vm9, $0x41100000, v0  }
0xc: {  	vm14 =	vcmask $0x2F2C;
	s31 =	simm.s32 $0x0;
	[sflag:s30] =	ssyncadd.s32 $0xFFFFFF80;
	v0 =	vsel vm13, $0x41200000, v0  }
0xd: {  	vm10 =	vcmask $0x3330;
	v1 =	vld [tilespmem:s31+$0x0];
	v0 =	vsel vm14, $0x41300000, v0  }
0xe: {  	vm11 =	vcmask $0x3734;
	s4 =	sshll.u32 s7, $0xF;
	v0 =	vsel vm10, $0x41400000, v0  }
0xf: {  	vm12 =	vcmask $0x3B38;
	s9 =	scvt.s32.f32 s4;
	v0 =	vsel vm11, $0x41500000, v0  }
0x10: {  	v3 =	vsel vm12, $0x41600000, v0  }
0x11: {  	v2 =	vimm.f32 $6.710886400e+07;
	s8 =	simm.s32 $0x40;
	v0 =	vimm.f32 $0.0e+00;
	v4 =	vadd.f32 s9, v3;
	s9 =	smov.u32 s4  }
.LBB2_1:
0x12: {  	s10 =	sshra.s32 s8, $0x2;
	p0 =	sne.s32 s8, $0x1C0;
	s8 =	sadd.s32 $0x40, s8;
	vm15 =	vgt.f32 v1, $0.0e+00;
	v5 =	vmov v1  }
.Ltmp0:
0x13: {  	v1 =	vld [tilespmem:s10+$0x0];
	v4 =	vnsel vm15, $0x4C800000, v4;
	(pc) =	sbr.rel @p0 .LBB2_1-.Ltmp0, $3  }
0x14: {  	s9 =	sadd.s32 $0x10, s9;
	vm15 =	vlt.f32 v4, v2  }
0x15: {  	s10 =	scvt.s32.f32 s9;
	v2 =	vsel vm15, v4, v2;
	v0 =	vsel vm15, v5, v0;
	_ =	sdelay $0x1  }
0x16: {  	v4 =	vadd.f32 s10, v3  }
0x17: {  	vm15 =	vgt.f32 v1, $0.0e+00  }
0x18: {  	v3 =	vnsel vm15, $0x4C800000, v4  }
0x19: {  	vm15 =	vlt.f32 v3, v2  }
0x1a: {  	v2 =	vsel vm15, v3, v2  }
0x1b: {  	(v2sf) =	vpush v2, $0x0  }
0x1c: {  	(v2sf) =	vpush v2, $0x1  }
0x1d: {  	(v2sf) =	vpush v2, $0x2  }
0x1e: {  	(v2sf) =	vpush v2, $0x3  }
0x1f: {  	(v2sf) =	vpush v2, $0x4  }
0x20: {  	(v2sf) =	vpush v2, $0x5  }
0x21: {  	(v2sf) =	vpush v2, $0x6  }
0x22: {  	(v2sf) =	vpush v2, $0x7  }
0x23: {  	(v2sf) =	vpush v2, $0x8  }
0x24: {  	(v2sf) =	vpush v2, $0x9  }
0x25: {  	(v2sf) =	vpush v2, $0xA  }
0x26: {  	(v2sf) =	vpush v2, $0xB  }
0x27: {  	(v2sf) =	vpush v2, $0xC  }
0x28: {  	(v2sf) =	vpush v2, $0xD  }
0x29: {  	(v2sf) =	vpush v2, $0xE  }
0x2a: {  	s8 =	spop (v2sf);
	(v2sf) =	vpush v2, $0xF  }
0x2b: {  	s9 =	spop (v2sf)  }
0x2c: {  	s10 =	spop (v2sf);
	s8 =	smin.f32 s8, s9  }
0x2d: {  	s18 =	spop (v2sf);
	s8 =	smin.f32 s8, s10  }
0x2e: {  	s19 =	spop (v2sf);
	s8 =	smin.f32 s8, s18  }
0x2f: {  	s20 =	spop (v2sf);
	s8 =	smin.f32 s8, s19  }
0x30: {  	s21 =	spop (v2sf);
	s8 =	smin.f32 s8, s20  }
0x31: {  	s22 =	spop (v2sf);
	s8 =	smin.f32 s8, s21  }
0x32: {  	s23 =	spop (v2sf);
	s8 =	smin.f32 s8, s22  }
0x33: {  	s24 =	spop (v2sf);
	s8 =	smin.f32 s8, s23  }
0x34: {  	s25 =	spop (v2sf);
	s8 =	smin.f32 s8, s24  }
0x35: {  	s26 =	spop (v2sf);
	s8 =	smin.f32 s8, s25  }
0x36: {  	s28 =	spop (v2sf);
	s8 =	smin.f32 s8, s26  }
0x37: {  	s29 =	spop (v2sf);
	s8 =	smin.f32 s8, s28  }
0x38: {  	s30 =	spop (v2sf);
	s8 =	smin.f32 s8, s29  }
0x39: {  	s8 =	smin.f32 s8, s30;
	s31 =	spop (v2sf)  }
0x3a: {  	s8 =	smin.f32 s8, s31  }
0x3b: {  	p0 =	sge.f32 s8, $6.710886400e+07  }
.Ltmp1:
0x3c: {  	_ = 	snop;
	(pc) =	sbr.rel @!p0 .LBB2_6-.Ltmp1, $3  }
0x3d: {  	_ =	sdelay $0x1  }
0x3e: {  	v0 =	vsel vm15, v1, v0;
	[tilespmem:$0x8000] =	vst v2  }
0x3f: {  	[tilespmem:$0x8010] =	vst v0;
	s8 =	sshll.u32 s7, $0x4  }
0x40: {  	v0 =	vimm.f32 $1.500000000e+01  }
0x41: {  	v0 =	vsel vm3, $0x0, v0  }
0x42: {  	v0 =	vsel vm1, $0x3F800000, v0  }
0x43: {  	v0 =	vsel vm0, $0x40000000, v0  }
0x44: {  	v0 =	vsel vm2, $0x40400000, v0  }
0x45: {  	v0 =	vsel vm4, $0x40800000, v0  }
0x46: {  	v0 =	vsel vm5, $0x40A00000, v0  }
0x47: {  	v0 =	vsel vm6, $0x40C00000, v0  }
0x48: {  	v0 =	vsel vm7, $0x40E00000, v0  }
0x49: {  	v0 =	vsel vm8, $0x41000000, v0  }
0x4a: {  	s9 =	simm.s32 $0x0;
	s31 =	simm.s32 $0x2;
	v0 =	vsel vm9, $0x41100000, v0  }
0x4b: {  	[tilespmem:s9], [sflag:$0x2] =	stream.linear.gather [hbm4b:s5+s9], $0x8000, $0x38;
	v0 =	vsel vm13, $0x41200000, v0;
	[tilespmem:$0x8A00] =	vst v63  }
0x4c: {  	s10 =	sand.u32 $0x7000, s9;
	s11 =	sand.u32 $0xF80, s9;
	_ =	swait.ge [sflag:s31], $0x8000;
	v0 =	vsel vm14, $0x41300000, v0  }
0x4d: {  	s12 =	sand.u32 $0x70, s9;
	s10 =	sor.u32 s10, s11;
	[sflag:s31] =	ssyncset.done $0x0;
	v0 =	vsel vm10, $0x41400000, v0  }
0x4e: {  	s10 =	sor.u32 s12, s10;
	[sflag:s31] =	ssyncadd.s32 $0xFFFF8000;
	v2 =	vsel vm11, $0x41500000, v0  }
0x4f: {  	s5 =	simm.s32 $0x10;
	s10 =	sor.u32 s4, s10;
	v3 =	vsel vm12, $0x41600000, v2;
	v2 =	vld [tilespmem:s9+$0x0]  }
0x50: {  	v1 =	vimm.f32 $0.0e+00;
	s11 =	simm.s32 $0x0;
	s12 =	scvt.s32.f32 s10;
	s10 =	simm.s32 $0x200;
	v0 =	vimm.f32 $6.710886400e+07  }
.LBB2_4:
0x51: {  	s13 =	sand.u32 $0x7000, s10  }
0x52: {  	s9 =	sadd.s32 $0x2, s9;
	s14 =	smov.u32 s5;
	p0 =	sne.s32 s5, $0x7FF0  }
.Ltmp2:
0x53: {  	s5 =	sadd.s32 $0x10, s5;
	s15 =	sand.u32 $0xF80, s9;
	v4 =	vadd.f32 s12, v3;
	(pc) =	sbr.rel @p0 .LBB2_4-.Ltmp2, $4  }
0x54: {  	s11 =	sadd.s32 $0x10, s11;
	s12 =	sand.u32 $0x70, s14;
	s13 =	sor.u32 s13, s15;
	vm15 =	vgt.f32 v2, $0.0e+00;
	v5 =	vmov v2  }
0x55: {  	s12 =	sor.u32 s12, s13;
	v2 =	vld [tilespmem:s11+$0x0];
	v4 =	vnsel vm15, $0x4C800000, v4  }
0x56: {  	s12 =	sor.u32 s4, s12;
	vm15 =	vlt.f32 v4, v0  }
0x57: {  	s10 =	sadd.s32 $0x200, s10;
	s12 =	scvt.s32.f32 s12;
	v0 =	vsel vm15, v4, v0;
	v1 =	vsel vm15, v5, v1  }
0x58: {  	_ = 	snop  }
0x59: {  	v3 =	vadd.f32 s12, v3  }
0x5a: {  	vm15 =	vgt.f32 v2, $0.0e+00  }
0x5b: {  	v3 =	vnsel vm15, $0x4C800000, v3  }
0x5c: {  	vm15 =	vlt.f32 v3, v0  }
0x5d: {  	v0 =	vsel vm15, v3, v0  }
0x5e: {  	v1 =	vsel vm15, v2, v1;
	[tilespmem:$0x8000] =	vst v0  }
0x5f: {  	[tilespmem:$0x8010] =	vst v1  }
.LBB2_6:
0x60: {  	s5 =	sadd.s32 s8, s6;
	s4 =	simm.s32 $0x0;
	s31 =	simm.s32 $0x8000  }
0x61: {  	[hbm4b:s5+s4] =	stream.linear.scatter [tilespmem:s31], [sflag:$0x2], $0x80, $0x38;
	[tilespmem:$0x8A00] =	vst v63  }
0x62: {  	s5 =	simm.s32 $0x2  }
0x63: {  	_ =	swait.ge [sflag:s5], $0x80  }
0x64: {  	[sflag:s5] =	ssyncset.done $0x0  }
0x65: {  	[sflag:s5] =	ssyncadd.s32 $0xFFFFFF80  }
0x66: {  	p0 =	sne.s32 s7, $0x0;
	[bflag:$0x0] =	sbarrier.arrive $0xFFFF  }
0x67: {  	_ =	sfence.sel @p0 $0x180000  }
0x68: {  	[bflag:$0x0] =	sbarrier.arrive @p0 $0xFFFF  }
0x69: {  	_ =	strace @p0 $0x90000047  }
0x6a: {  	[bflag:$0x2] =	sbarrier.arrive @p0 $0xFFFF  }
0x6b: {  	_ =	shalt @p0  }
.LBB2_7:
0x6c: {  	s7 =	simm.s32 $0x8080  }
0x6d: {  	[tilespmem:s7], [sflag:$0x2] =	stream.linear.gather [hbm4b:s6+s4], $0x800, $0x38;
	[tilespmem:$0x8A00] =	vst v63  }
0x6e: {  	_ =	swait.ge [sflag:s5], $0x800  }
0x6f: {  	[sflag:s5] =	ssyncset.done $0x0  }
0x70: {  	[sflag:s5] =	ssyncadd.s32 $0xFFFFF800  }
0x71: {  	v0 =	vld [tilespmem:$0x8080]  }
0x72: {  	v1 =	vld [tilespmem:$0x8100]  }
0x73: {  	v2 =	vld [tilespmem:$0x8180]  }
0x74: {  	v3 =	vld [tilespmem:$0x8200]  }
0x75: {  	v4 =	vld [tilespmem:$0x8280]  }
0x76: {  	v5 =	vld [tilespmem:$0x8300]  }
0x77: {  	v6 =	vld [tilespmem:$0x8380];
	v0 =	vmin.f32 v0, v1  }
0x78: {  	v7 =	vld [tilespmem:$0x8400];
	v0 =	vmin.f32 v0, v2  }
0x79: {  	v8 =	vld [tilespmem:$0x8480];
	v0 =	vmin.f32 v0, v3  }
0x7a: {  	v9 =	vld [tilespmem:$0x8500];
	v0 =	vmin.f32 v0, v4  }
0x7b: {  	v10 =	vld [tilespmem:$0x8580];
	v0 =	vmin.f32 v0, v5  }
0x7c: {  	v11 =	vld [tilespmem:$0x8600];
	v0 =	vmin.f32 v0, v6  }
0x7d: {  	v12 =	vld [tilespmem:$0x8680];
	v0 =	vmin.f32 v0, v7  }
0x7e: {  	v13 =	vld [tilespmem:$0x8700];
	v0 =	vmin.f32 v0, v8  }
0x7f: {  	v14 =	vld [tilespmem:$0x8780];
	v0 =	vmin.f32 v0, v9  }
0x80: {  	v15 =	vld [tilespmem:$0x8800];
	v0 =	vmin.f32 v0, v10  }
0x81: {  	v0 =	vmin.f32 v0, v11  }
0x82: {  	v0 =	vmin.f32 v0, v12  }
0x83: {  	v0 =	vmin.f32 v0, v13  }
0x84: {  	v0 =	vmin.f32 v0, v14  }
0x85: {  	v0 =	vmin.f32 v0, v15  }
0x86: {  	(v2sf) =	vpush v0, $0x0  }
0x87: {  	(v2sf) =	vpush v0, $0x1  }
0x88: {  	(v2sf) =	vpush v0, $0x2  }
0x89: {  	(v2sf) =	vpush v0, $0x3  }
0x8a: {  	(v2sf) =	vpush v0, $0x4  }
0x8b: {  	(v2sf) =	vpush v0, $0x5  }
0x8c: {  	(v2sf) =	vpush v0, $0x6  }
0x8d: {  	(v2sf) =	vpush v0, $0x7  }
0x8e: {  	(v2sf) =	vpush v0, $0x8  }
0x8f: {  	(v2sf) =	vpush v0, $0x9  }
0x90: {  	(v2sf) =	vpush v0, $0xA  }
0x91: {  	(v2sf) =	vpush v0, $0xB  }
0x92: {  	(v2sf) =	vpush v0, $0xC  }
0x93: {  	(v2sf) =	vpush v0, $0xD  }
0x94: {  	(v2sf) =	vpush v0, $0xE  }
0x95: {  	s28 =	spop (v2sf);
	(v2sf) =	vpush v0, $0xF  }
0x96: {  	s21 =	spop (v2sf)  }
0x97: {  	s6 =	smin.f32 s28, s21;
	s19 =	spop (v2sf)  }
0x98: {  	s6 =	smin.f32 s6, s19;
	s20 =	spop (v2sf)  }
0x99: {  	s6 =	smin.f32 s6, s20;
	s17 =	spop (v2sf)  }
0x9a: {  	s6 =	smin.f32 s6, s17;
	s16 =	spop (v2sf)  }
0x9b: {  	s6 =	smin.f32 s6, s16;
	s10 =	spop (v2sf)  }
0x9c: {  	s6 =	smin.f32 s6, s10;
	s11 =	spop (v2sf)  }
0x9d: {  	s29 =	smin.f32 s6, s11;
	s6 =	spop (v2sf)  }
0x9e: {  	s8 =	smin.f32 s29, s6;
	s7 =	spop (v2sf)  }
0x9f: {  	s9 =	smin.f32 s8, s7;
	s8 =	spop (v2sf)  }
0xa0: {  	s12 =	smin.f32 s9, s8;
	s9 =	spop (v2sf)  }
0xa1: {  	v49 =	vld [tilespmem:$0x8090];
	s13 =	smin.f32 s12, s9;
	s12 =	spop (v2sf)  }
0xa2: {  	v16 =	vld [tilespmem:$0x8110];
	s14 =	smin.f32 s13, s12;
	s30 =	spop (v2sf)  }
0xa3: {  	v17 =	vld [tilespmem:$0x8190];
	s15 =	smin.f32 s14, s30;
	s31 =	spop (v2sf)  }
0xa4: {  	v18 =	vld [tilespmem:$0x8210];
	s18 =	smin.f32 s15, s31;
	s25 =	spop (v2sf)  }
0xa5: {  	v19 =	vld [tilespmem:$0x8290];
	s18 =	smin.f32 s18, s25  }
0xa6: {  	v20 =	vld [tilespmem:$0x8310];
	vm15 =	veq.f32 v1, s18  }
0xa7: {  	v50 =	vld [tilespmem:$0x8390];
	v0 =	vsel vm15, v16, v49;
	vm15 =	veq.f32 v2, s18  }
0xa8: {  	v51 =	vld [tilespmem:$0x8410];
	v0 =	vsel vm15, v17, v0;
	vm15 =	veq.f32 v3, s18  }
0xa9: {  	v52 =	vld [tilespmem:$0x8490];
	v0 =	vsel vm15, v18, v0;
	vm15 =	veq.f32 v4, s18  }
0xaa: {  	v53 =	vld [tilespmem:$0x8510];
	v0 =	vsel vm15, v19, v0;
	vm15 =	veq.f32 v5, s18  }
0xab: {  	v54 =	vld [tilespmem:$0x8590];
	v0 =	vsel vm15, v20, v0;
	vm15 =	veq.f32 v6, s18  }
0xac: {  	v55 =	vld [tilespmem:$0x8610];
	v0 =	vsel vm15, v50, v0;
	vm15 =	veq.f32 v7, s18  }
0xad: {  	v56 =	vld [tilespmem:$0x8690];
	v0 =	vsel vm15, v51, v0;
	vm15 =	veq.f32 v8, s18  }
0xae: {  	v57 =	vld [tilespmem:$0x8710];
	v0 =	vsel vm15, v52, v0;
	vm15 =	veq.f32 v9, s18  }
0xaf: {  	v60 =	vimm.s32 $0xC180;
	v58 =	vld [tilespmem:$0x8790];
	v0 =	vsel vm15, v53, v0;
	vm15 =	veq.f32 v10, s18  }
0xb0: {  	v61 =	vsel vm3, $0x0, v60;
	v59 =	vld [tilespmem:$0x8810];
	v0 =	vsel vm15, v54, v0;
	vm15 =	veq.f32 v11, s18  }
0xb1: {  	v1 =	vsel vm1, $0x80, v61;
	v0 =	vsel vm15, v55, v0;
	vm15 =	veq.f32 v12, s18  }
0xb2: {  	v1 =	vsel vm0, $0x100, v1;
	v0 =	vsel vm15, v56, v0;
	vm15 =	veq.f32 v13, s18  }
0xb3: {  	v1 =	vsel vm2, $0x180, v1;
	v0 =	vsel vm15, v57, v0;
	vm15 =	veq.f32 v14, s18  }
0xb4: {  	v1 =	vsel vm4, $0x4000, v1;
	v0 =	vsel vm15, v58, v0;
	vm15 =	veq.f32 v15, s18  }
0xb5: {  	v1 =	vsel vm5, $0x4080, v1;
	v0 =	vsel vm15, v59, v0  }
0xb6: {  	p0 =	sge.f32 s18, $5.242880000e+05;
	v1 =	vsel vm6, $0x4100, v1;
	(v2sf) =	vpush v0, $0x0  }
0xb7: {  	s22 =	smov.u32 s18;
	v1 =	vsel vm7, $0x4180, v1;
	(v2sf) =	vpush v0, $0x1  }
0xb8: {  	s22 =	simm.s32 @p0 $0x0;
	v1 =	vsel vm8, $0x8000, v1  }
0xb9: {  	s22 =	scvt.f32.s32 s22;
	v1 =	vsel vm9, $0x8080, v1;
	(v2sf) =	vpush v0, $0x2  }
0xba: {  	v1 =	vsel vm13, $0x8100, v1;
	(v2sf) =	vpush v0, $0x3  }
0xbb: {  	s23 =	sshll.u32 s22, $0x2;
	v1 =	vsel vm14, $0x8180, v1;
	(v2sf) =	vpush v0, $0x4  }
0xbc: {  	s24 =	sshll.u32 s22, $0x4;
	s22 =	sand.u32 $0x7F, s22;
	s23 =	sand.u32 $0x3E00, s23;
	v1 =	vsel vm10, $0xC000, v1;
	(v2sf) =	vpush v0, $0x5  }
0xbd: {  	s24 =	sand.u32 $0xFFFF0000, s24;
	s22 =	sor.u32 s22, s23;
	v1 =	vsel vm11, $0xC080, v1;
	(v2sf) =	vpush v0, $0x6  }
0xbe: {  	s22 =	sor.u32 s24, s22;
	v1 =	vsel vm12, $0xC100, v1;
	(v2sf) =	vpush v0, $0x7  }
0xbf: {  	v1 =	vor.u32 s22, v1;
	(v2sf) =	vpush v0, $0x8  }
0xc0: {  	s26 =	simm.s32 $0x10;
	s28 =	simm.s32 $0x8900;
	s29 =	simm.s32 $0x8980;
	[tilespmem:$0x8900] =	vst v1;
	(v2sf) =	vpush v0, $0x9  }
0xc1: {  	[tilespmem:s29], [sflag:$0x1] =	stream.indirect.gather [hbm4b:s3+s26], $0x1, s28, s26, $0xb8;
	(v2sf) =	vpush v0, $0xA;
	[tilespmem:$0x8A00] =	vst v63  }
0xc2: {  	v62 =	vld [tilespmem:$0x0];
	(v2sf) =	vpush v0, $0xB  }
0xc3: {  	(v2sf) =	vpush v0, $0xC  }
0xc4: {  	(v2sf) =	vpush v0, $0xD  }
0xc5: {  	p1 =	seq.f32 s21, s18;
	(v2sf) =	vpush v0, $0xE;
	s3 =	spop (v2sf)  }
0xc6: {  	(v2sf) =	vpush v0, $0xF;
	s23 =	spop (v2sf)  }
0xc7: {  	(v2sf) =	vpush v62, $0x0;
	s3 =	smov.u32 @p1 s23;
	p1 =	seq.f32 s19, s18  }
0xc8: {  	p2 =	seq.f32 s20, s18;
	s24 =	spop (v2sf)  }
0xc9: {  	s21 =	spop (v2sf);
	s3 =	smov.u32 @p1 s24;
	p1 =	seq.f32 s17, s18  }
0xca: {  	s23 =	spop (v2sf);
	s3 =	smov.u32 @p2 s21;
	p2 =	seq.f32 s16, s18  }
0xcb: {  	s19 =	spop (v2sf);
	s3 =	smov.u32 @p1 s23;
	p1 =	seq.f32 s10, s18  }
0xcc: {  	s20 =	spop (v2sf);
	s3 =	smov.u32 @p2 s19;
	p2 =	seq.f32 s11, s18  }
0xcd: {  	s24 =	spop (v2sf);
	s3 =	smov.u32 @p1 s20;
	p1 =	seq.f32 s6, s18  }
0xce: {  	s21 =	spop (v2sf);
	s3 =	smov.u32 @p2 s24;
	p2 =	seq.f32 s7, s18  }
0xcf: {  	s17 =	spop (v2sf);
	s3 =	smov.u32 @p1 s21;
	p1 =	seq.f32 s8, s18  }
0xd0: {  	s16 =	spop (v2sf);
	s3 =	smov.u32 @p2 s17;
	p2 =	seq.f32 s9, s18  }
0xd1: {  	s23 =	spop (v2sf);
	s3 =	smov.u32 @p1 s16;
	p1 =	seq.f32 s12, s18  }
0xd2: {  	s19 =	spop (v2sf);
	s3 =	smov.u32 @p2 s23;
	p2 =	seq.f32 s30, s18  }
0xd3: {  	s10 =	spop (v2sf);
	s3 =	smov.u32 @p1 s19;
	p1 =	seq.f32 s31, s18  }
0xd4: {  	s11 =	spop (v2sf);
	s3 =	smov.u32 @p2 s10;
	p2 =	seq.f32 s25, s18  }
0xd5: {  	s6 =	spop (v2sf);
	s3 =	smov.u32 @p1 s11  }
0xd6: {  	s3 =	smov.u32 @p2 s6;
	s6 =	spop (v2sf)  }
0xd7: {  	s3 =	smov.u32 @p0 s6  }
0xd8: {  	v63 =	vmov s3  }
0xd9: {  	v0 =	vadd.f32 $0.0e+00, v63;
	_ =	sdelay $0x1  }
0xda: {  	v0 =	vsub.f32 $0.0e+00, v0;
	_ =	sdelay $0x1  }
0xdb: {  	v0 =	vmul.f32 $1.442695020e+00, v0;
	_ =	sdelay $0x1  }
0xdc: {  	v0 =	vbroadcast v0, $0x0;
	_ =	sdelay $0x1  }
0xdd: {  	(erf) = vpow2.f32 v0;
	_ =	sdelay $0x8  }
0xde: {  	v0 =	vpop (erf)  }
0xdf: {  	v0 =	vadd.f32 $1.000000000e+00, v0;
	_ =	sdelay $0x1  }
0xe0: {  	(erf) = vrcp.f32 v0;
	_ =	sdelay $0x8  }
0xe1: {  	vm15 =	vmmov $0x1;
	v0 =	vpop (erf)  }
0xe2: {  	v0 =	vnsel vm15, $0x0, v0  }
0xe3: {  	s30 =	simm.s32 $0x8880;
	[tilespmem:$0x8880] =	vst v0  }
0xe4: {  	[hbm4b:s2+s4] =	stream.linear.scatter [tilespmem:s30], [sflag:$0x2], $0x80, $0x38;
	[tilespmem:$0x8A00] =	vst v63  }
0xe5: {  	_ =	swait.ge [sflag:s5], $0x80  }
0xe6: {  	[sflag:s5] =	ssyncset.done $0x0  }
0xe7: {  	s31 =	simm.s32 $0x1;
	[sflag:s5] =	ssyncadd.s32 $0xFFFFFF80  }
0xe8: {  	_ =	swait.ge [sflag:s31], $0x10  }
0xe9: {  	[sflag:s31] =	ssyncset.done $0x0  }
0xea: {  	[sflag:s31] =	ssyncadd.s32 $0xFFFFFFF0  }
0xeb: {  	[hbm4b:s1+s4] =	stream.linear.scatter [tilespmem:s29], [sflag:$0x2], $0x80, $0x38;
	[tilespmem:$0x8A00] =	vst v63  }
0xec: {  	_ =	swait.ge [sflag:s5], $0x80  }
0xed: {  	[sflag:s5] =	ssyncset.done $0x0  }
0xee: {  	[sflag:s5] =	ssyncadd.s32 $0xFFFFFF80  }
0xef: {  	_ =	sfence.sel $0x180000  }
0xf0: {  	[bflag:$0x0] =	sbarrier.arrive $0xFFFF  }
0xf1: {  	_ =	strace $0x90000047  }
0xf2: {  	s0 =	sadd.s32 $0x100000, s0;
	[bflag:$0x2] =	sbarrier.arrive $0xFFFF  }
0xf3: {  	[sflag:s0] =	ssyncadd.tile.s32 $0x1;
	_ =	shalt  }
.Lfunc_end2:
_tile_overlayer_lowered:
.L_overlay_start_2:
0xf4: {  	(tag) =	ssettag $0x2  }
0xf5: {  	s0 =	rddreg [dreg:$0x0];
	s2 =	stileid.u32  }
0xf6: {  	s1 =	rddreg [dreg:$0x1];
	p0 =	sne.s32 s2, $0x0  }
0xf7: {  	s3 =	rddreg [dreg:$0x2];
	[bflag:$0x3] =	sbarrier.arrive $0xFFFF;
	s2 =	simm.s32 @!p0 $0x1C02  }
0xf8: {  	[timem:s3], [sflag:s2] =	dma.local @!p0 [hbm:s0], s1  }
0xf9: {  	s0 =	simm.s32 @!p0 $0x2  }
0xfa: {  	_ =	swait.ge @!p0 [sflag:s0], s1  }
0xfb: {  	s1 =	ssub.s32 @!p0 $0x0, s1;
	[sflag:s0] =	ssyncset.done @!p0 $0x0  }
0xfc: {  	[sflag:s0] =	ssyncadd.s32 @!p0 s1  }
0xfd: {  	[bflag:$0x3] =	sbarrier.arrive $0xFFFF  }
0xfe: {  	_ =	shalt  }

</sc_bundles>
